<compile_context>
chip_gen: v7x
topology: tpu7x:2x2x1
jax: 0.10.2.dev20260603
libtpu: 0.0.44.dev20260713+nightly
codegen_flags: <defaults>
</compile_context>

<pallas_src>
import functools

import jax
import jax.numpy as jnp
from jax import lax
from jax.experimental import pallas as pl
from jax.experimental.pallas import tpu as pltpu
from jax.experimental.pallas import tpu_sc as plsc

H = 512
W = 512
HW = H * W
TW = 1024
TH = 1024
TEXN = 3 * TH * TW
NW = 32
PPW = HW // NW
PWIN = 4096
NWIN = PPW // PWIN
TWO23 = 8388608.0


def _rte(x):
    return (x + TWO23) - TWO23


F_PAD = 50176
FW = 1568
NFW = F_PAD // FW
SEG = HW // 8
NEG_INF = float("-inf")


def _accum_body(flat_h, zkey_h, fu_h, fv_h, zb_h, imgs_o,
                shared, flv, zkv, fuv, fvv, zidx, zbv, au, av, ac,
                p0, p1, p2, zv, sem):
    c = lax.axis_index("c")
    s = lax.axis_index("s")
    Z = HW // 16

    def z_body(i, _):
        zv[pl.ds(i * 16, 16)] = jnp.zeros((16,), jnp.float32)
        return _

    lax.fori_loop(0, 4096 // 16, z_body, None)
    for p in range(6):
        for kq in range(Z // 4096):
            pltpu.sync_copy(zv, shared.at[pl.ds(p * HW + s * Z + kq * 4096, 4096)])
    plsc.subcore_barrier()

    for lb in range(2):
        bb = lb * 2 + c
        for wi in range(2):
            fb = bb * F_PAD + (s * 2 + wi) * FW
            pltpu.sync_copy(flat_h.at[pl.ds(fb, FW)], flv)
            pltpu.sync_copy(zkey_h.at[pl.ds(fb, FW)], zkv)
            pltpu.sync_copy(fu_h.at[pl.ds(fb, FW)], fuv)
            pltpu.sync_copy(fv_h.at[pl.ds(fb, FW)], fvv)

            def ix_body(i, _):
                sl = pl.ds(i * 16, 16)
                zidx[sl] = bb * HW + flv[sl]
                return _

            lax.fori_loop(0, FW // 16, ix_body, None)
            pltpu.async_copy(zb_h.at[zidx], zbv, sem).wait()

            def acc_body(i, _):
                sl = pl.ds(i * 16, 16)
                fl = flv[sl]
                zk = zkv[sl]
                win = (zk > NEG_INF) & (zk >= zbv[sl] - 1e-6)
                w1 = jnp.where(win, 1.0, 0.0)
                au[sl] = fuv[sl] * w1
                av[sl] = fvv[sl] * w1
                ac[sl] = w1
                base0 = lb * 3 * HW + fl
                p0[sl] = base0
                p1[sl] = base0 + HW
                p2[sl] = base0 + 2 * HW
                return _

            lax.fori_loop(0, FW // 16, acc_body, None)
            pltpu.sync_copy(au, shared.at[p0], add=True)
            pltpu.sync_copy(av, shared.at[p1], add=True)
            pltpu.sync_copy(ac, shared.at[p2], add=True)

    plsc.subcore_barrier()
    for p in range(6):
        lb, t = p // 3, p % 3
        bb = lb * 2 + c
        pltpu.sync_copy(shared.at[pl.ds(p * HW + s * Z, Z)],
                        imgs_o.at[pl.ds((t * 4 + bb) * HW + s * Z, Z)])


@jax.jit
def _accum_sc(flat_h, zkey_h, fu_h, fv_h, zb_h):
    f32 = jnp.float32
    i32 = jnp.int32
    k = pl.kernel(
        _accum_body,
        mesh=plsc.VectorSubcoreMesh(core_axis_name="c", subcore_axis_name="s"),
        out_type=[jax.ShapeDtypeStruct((12 * HW,), f32)],
        scratch_types=[
            pltpu.VMEM_SHARED((6 * HW,), f32),
            pltpu.VMEM((FW,), i32),
            pltpu.VMEM((FW,), f32),
            pltpu.VMEM((FW,), f32),
            pltpu.VMEM((FW,), f32),
            pltpu.VMEM((FW,), i32),
            pltpu.VMEM((FW,), f32),
            pltpu.VMEM((FW,), f32),
            pltpu.VMEM((FW,), f32),
            pltpu.VMEM((FW,), f32),
            pltpu.VMEM((FW,), i32),
            pltpu.VMEM((FW,), i32),
            pltpu.VMEM((FW,), i32),
            pltpu.VMEM((4096,), f32),
            pltpu.SemaphoreType.DMA,
        ],
    )
    return k(flat_h, zkey_h, fu_h, fv_h, zb_h)


def _frag_body(imgs, tex, bases, ren_o, prob_o, fg_o,
               bas_v, bufs, tidx0, tidx1, tidx2, rv, gv, bv,
               outr, outg, outb, outp, outf, sem):
    wid = lax.axis_index("s") * 2 + lax.axis_index("c")
    lanes = lax.iota(jnp.int32, 16)
    pltpu.sync_copy(bases, bas_v)

    for win in range(NWIN):
        pix0 = wid * PPW + win * PWIN
        for t in range(3):
            for j in range(4):
                pltpu.sync_copy(imgs.at[pl.ds((t * 4 + j) * HW + pix0, PWIN)],
                                bufs[t * 4 + j])

        def it_body(i, _):
            sl = pl.ds(i * 16, 16)
            cnt = [bufs[8 + j][sl] for j in range(4)]
            u = bufs[0][sl]
            v = bufs[4][sl]
            cw = cnt[0]
            base = bas_v[pl.ds(0, 16)]
            for j in range(1, 4):
                m = cnt[j] > 0.5
                u = jnp.where(m, bufs[j][sl], u)
                v = jnp.where(m, bufs[4 + j][sl], v)
                cw = jnp.where(m, cnt[j], cw)
                base = jnp.where(m, bas_v[pl.ds(j * 16, 16)], base)
            uu = jnp.minimum(jnp.maximum(u, 0.0), 1.0)
            vv = jnp.minimum(jnp.maximum(v, 0.0), 1.0)
            tx = _rte(uu * float(TW - 1)).astype(jnp.int32)
            ty = _rte((1.0 - vv) * float(TH - 1)).astype(jnp.int32)
            tidx = base + ty * TW + tx
            covered = cw > 0.5
            spread = (pix0 + i * 16 + lanes) & (TEXN - 1)
            tidx = jnp.where(covered, tidx, spread)
            tidx0[sl] = tidx
            tidx1[sl] = tidx + TH * TW
            tidx2[sl] = tidx + 2 * TH * TW
            outf[sl] = cw
            outp[sl] = jnp.minimum(cw, 1.0)
            return _

        lax.fori_loop(0, PWIN // 16, it_body, None)

        pltpu.async_copy(tex.at[tidx0], rv, sem).wait()
        pltpu.async_copy(tex.at[tidx1], gv, sem).wait()
        pltpu.async_copy(tex.at[tidx2], bv, sem).wait()

        def mul_body(i, _):
            sl = pl.ds(i * 16, 16)
            cw = outf[sl]
            outr[sl] = rv[sl] * cw
            outg[sl] = gv[sl] * cw
            outb[sl] = bv[sl] * cw
            return _

        lax.fori_loop(0, PWIN // 16, mul_body, None)

        pltpu.sync_copy(outr, ren_o.at[pl.ds(pix0, PWIN)])
        pltpu.sync_copy(outg, ren_o.at[pl.ds(HW + pix0, PWIN)])
        pltpu.sync_copy(outb, ren_o.at[pl.ds(2 * HW + pix0, PWIN)])
        pltpu.sync_copy(outp, prob_o.at[pl.ds(pix0, PWIN)])
        pltpu.sync_copy(outf, fg_o.at[pl.ds(pix0, PWIN)])


def _frag_body_wrap(imgs, tex, bases, ren_o, prob_o, fg_o, *scratch):
    bufs = list(scratch[1:13])
    _frag_body(imgs, tex, bases, ren_o, prob_o, fg_o,
               scratch[0], bufs, *scratch[13:])


@jax.jit
def _frag_sc(imgs, tex, bases):
    f32 = jnp.float32
    i32 = jnp.int32
    k = pl.kernel(
        _frag_body_wrap,
        mesh=plsc.VectorSubcoreMesh(core_axis_name="c", subcore_axis_name="s"),
        out_type=[
            jax.ShapeDtypeStruct((3 * HW,), f32),
            jax.ShapeDtypeStruct((HW,), f32),
            jax.ShapeDtypeStruct((HW,), f32),
        ],
        scratch_types=[pltpu.VMEM((64,), i32)]
        + [pltpu.VMEM((PWIN,), f32) for _ in range(12)]
        + [pltpu.VMEM((PWIN,), i32) for _ in range(3)]
        + [pltpu.VMEM((PWIN,), f32) for _ in range(8)]
        + [pltpu.SemaphoreType.DMA],
    )
    return k(imgs, tex, bases)


def kernel(points, faces, camera_rot, camera_pos, camera_proj, uv, texture, ts):
    b = points.shape[0]
    F = faces.shape[0]
    dist_inds = jnp.argsort(ts[:, 2])[::-1]

    pc = jnp.einsum('bij,bpj->bpi', camera_rot, points - camera_pos[:, None, :])
    z = pc[:, :, 2] + 10.0
    x2 = pc[:, :, 0] * camera_proj[0, 0] / z
    y2 = pc[:, :, 1] * camera_proj[1, 0] / z

    f0, f1, f2 = faces[:, 0], faces[:, 1], faces[:, 2]
    v0 = pc[:, f0, :]
    v1 = pc[:, f1, :]
    v2 = pc[:, f2, :]
    e1x, e1y, e1z = (v1 - v0)[:, :, 0], (v1 - v0)[:, :, 1], (v1 - v0)[:, :, 2]
    e2x, e2y, e2z = (v2 - v0)[:, :, 0], (v2 - v0)[:, :, 1], (v2 - v0)[:, :, 2]
    nxc = e1y * e2z - e1z * e2y
    nyc = e1z * e2x - e1x * e2z
    nzc = e1x * e2y - e1y * e2x
    inv = 1.0 / (jnp.sqrt(nxc * nxc + nyc * nyc + nzc * nzc) + 1e-8)
    n1 = jnp.stack([nxc * inv, nyc * inv, nzc * inv], axis=-1)
    n1_list = [n1[i][None] for i in range(b)]

    cx = (x2[:, f0] + x2[:, f1] + x2[:, f2]) / 3.0
    cy = (y2[:, f0] + y2[:, f1] + y2[:, f2]) / 3.0
    depth = (v0[:, :, 2] + v1[:, :, 2] + v2[:, :, 2]) / 3.0
    inb = (cx >= -1.0) & (cx <= 1.0) & (cy >= -1.0) & (cy <= 1.0)
    valid = inb & (nzc > 0.0)
    px = jnp.clip(jnp.round((cx + 1.0) * 0.5 * (W - 1)), 0, W - 1).astype(jnp.int32)
    py = jnp.clip(jnp.round((1.0 - cy) * 0.5 * (H - 1)), 0, H - 1).astype(jnp.int32)
    flat = py * W + px
    zkey = jnp.where(valid, -depth, -jnp.inf)

    featu = (uv[:, f0, 0] + uv[:, f1, 0] + uv[:, f2, 0]) / 3.0
    featv = (uv[:, f0, 1] + uv[:, f1, 1] + uv[:, f2, 1]) / 3.0

    pad = ((0, 0), (0, F_PAD - F))
    flat_p = jnp.pad(flat, pad).reshape(-1)
    zkey_p = jnp.pad(zkey, pad, constant_values=-jnp.inf).reshape(-1)
    fu_p = jnp.pad(featu, pad).reshape(-1)
    fv_p = jnp.pad(featv, pad).reshape(-1)
    zbuf = jax.vmap(lambda fl, zk: jnp.full((HW,), -jnp.inf, jnp.float32)
                    .at[fl].max(zk))(flat, zkey).reshape(-1)
    imgs_b = _accum_sc(flat_p, zkey_p, fu_p, fv_p, zbuf)[0]
    imgs = imgs_b.reshape(3, 4, HW)[:, dist_inds].reshape(-1)
    bases = jnp.broadcast_to((dist_inds.astype(jnp.int32) * TEXN)[:, None],
                             (4, 16)).reshape(-1)
    ren, prob, fg = _frag_sc(imgs, texture.reshape(-1), bases)

    imrender = ren.reshape(3, H, W).transpose(1, 2, 0)[None]
    improb = prob.reshape(H, W, 1)[None]
    fg_mask = fg.reshape(H, W, 1)[None]
    return (imrender, improb, n1_list, fg_mask)

# --- scband reference (transcript-rebuilt; emitter-appended) ---
"""Pipeline reference for scband-tex-render-multi-34789235097717 (READ-ONLY COPY).

The authoritative reference and input builder live on the scoring server;
editing this copy changes nothing except your own understanding.
"""

import jax, jax.numpy as jnp
import numpy as np

H = 512
W = 512

def datanormalize(x, axis):
    return x / (jnp.linalg.norm(x, axis=axis, keepdims=True) + 1e-8)

def perspective_projection(points_1xpx3, faces_fx3, cam):
    camrot, campos, camproj = cam
    pc = jnp.einsum('bij,bpj->bpi', camrot, points_1xpx3 - campos[:, None, :])
    z = pc[:, :, 2:3] + 10.0
    x2 = pc[:, :, 0:1] * camproj[0, 0] / z
    y2 = pc[:, :, 1:2] * camproj[1, 0] / z
    p2d = jnp.concatenate([x2, y2], axis=2)
    v0 = pc[:, faces_fx3[:, 0], :]
    v1 = pc[:, faces_fx3[:, 1], :]
    v2 = pc[:, faces_fx3[:, 2], :]
    points3d_1xfx9 = jnp.concatenate([v0, v1, v2], axis=2)
    q0 = p2d[:, faces_fx3[:, 0], :]
    q1 = p2d[:, faces_fx3[:, 1], :]
    q2 = p2d[:, faces_fx3[:, 2], :]
    points2d_1xfx6 = jnp.concatenate([q0, q1, q2], axis=2)
    normal_1xfx3 = jnp.cross(v1 - v0, v2 - v0)
    return points3d_1xfx9, points2d_1xfx6, normal_1xfx3

def linear_rasterizer(width, height, p3d, p2d, normalz, uvfeat):
    cx = (p2d[0, :, 0] + p2d[0, :, 2] + p2d[0, :, 4]) / 3.0
    cy = (p2d[0, :, 1] + p2d[0, :, 3] + p2d[0, :, 5]) / 3.0
    depth = (p3d[0, :, 2] + p3d[0, :, 5] + p3d[0, :, 8]) / 3.0
    inb = (cx >= -1.0) & (cx <= 1.0) & (cy >= -1.0) & (cy <= 1.0)
    valid = inb & (normalz[0, :, 0] > 0.0)
    px = jnp.clip(jnp.round(jax.lax.stop_gradient((cx + 1.0) * 0.5 * (width - 1))), 0, width - 1).astype(jnp.int32)
    py = jnp.clip(jnp.round(jax.lax.stop_gradient((1.0 - cy) * 0.5 * (height - 1))), 0, height - 1).astype(jnp.int32)
    flat = py * width + px
    zkey = jnp.where(valid, -depth, -jnp.inf)
    zkey_sg = jax.lax.stop_gradient(zkey)
    zbuf = jnp.full((height * width,), -jnp.inf, dtype=jnp.float32).at[flat].max(zkey_sg)
    win = (valid & (zkey_sg >= zbuf[flat] - 1e-6)).astype(jnp.float32)
    feat = (uvfeat[0, :, 0:3] + uvfeat[0, :, 3:6] + uvfeat[0, :, 6:9]) / 3.0
    imfeat = jnp.zeros((height * width, 3), dtype=jnp.float32).at[flat].add(feat * win[:, None])
    imfeat = imfeat.reshape(1, height, width, 3)
    improb = jnp.zeros((height * width,), dtype=jnp.float32).at[flat].add(win)
    improb = jnp.clip(improb, 0.0, 1.0).reshape(1, height, width, 1)
    return imfeat, improb

def fragmentshader(imtexcoords, texture_1x3xthxtw, hardmask):
    th = texture_1x3xthxtw.shape[2]
    tw = texture_1x3xthxtw.shape[3]
    u = jnp.clip(imtexcoords[0, :, :, 0], 0.0, 1.0)
    v = jnp.clip(imtexcoords[0, :, :, 1], 0.0, 1.0)
    tx = jnp.round(jax.lax.stop_gradient(u) * (tw - 1)).astype(jnp.int32)
    ty = jnp.round((1.0 - jax.lax.stop_gradient(v)) * (th - 1)).astype(jnp.int32)
    tex = jnp.transpose(texture_1x3xthxtw[0], (1, 2, 0))
    color = tex[ty, tx]
    return color[None, :, :, :] * hardmask

def setup_inputs(seed: int = 0):
    key = jax.random.key(seed)
    ks = jax.random.split(key, 8)
    b, P, F = 4, 25000, 50000
    points = jax.random.normal(ks[0], (b, P, 3), dtype=jnp.float32)
    faces = jax.random.randint(ks[1], (F, 3), 0, P)
    camera_rot = jnp.tile(jnp.eye(3, dtype=jnp.float32)[None], (b, 1, 1)) + 0.01 * jax.random.normal(ks[2], (b, 3, 3), dtype=jnp.float32)
    camera_pos = 0.1 * jax.random.normal(ks[3], (b, 3), dtype=jnp.float32)
    camera_proj = jax.random.uniform(ks[4], (3, 1), dtype=jnp.float32, minval=0.5, maxval=2.0)
    uv = jax.random.uniform(ks[5], (b, P, 2), dtype=jnp.float32)
    texture = jax.random.uniform(ks[6], (b, 3, 1024, 1024), dtype=jnp.float32)
    ts = jax.random.normal(ks[7], (b, 3), dtype=jnp.float32)
    return {'points': points, 'faces': faces, 'camera_rot': camera_rot, 'camera_pos': camera_pos, 'camera_proj': camera_proj, 'uv': uv, 'texture': texture, 'ts': ts}

def reference(points, faces, camera_rot, camera_pos, camera_proj, uv, texture, ts):
    b = points.shape[0]
    distances = ts[:, 2]
    dist_inds = jnp.argsort(distances)[::-1]
    p3d_list, p2d_list, nz_list, n1_list, uv9_list = [], [], [], [], []
    for i in range(b):
        pts = points[i][None]
        cam = [camera_rot[i:i + 1], camera_pos[i:i + 1], camera_proj]
        p3d, p2d, normal = perspective_projection(pts, faces, cam)
        nz = normal[:, :, 2:3]
        n1 = datanormalize(normal, axis=2)
        uv1 = uv[i][None]
        c0 = uv1[:, faces[:, 0], :]
        c1 = uv1[:, faces[:, 1], :]
        c2 = uv1[:, faces[:, 2], :]
        mask = jnp.ones_like(c0[:, :, :1])
        uv9 = jnp.concatenate((c0, mask, c1, mask, c2, mask), axis=2)
        p3d_list.append(p3d); p2d_list.append(p2d); nz_list.append(nz); n1_list.append(n1); uv9_list.append(uv9)
    p3d_all = jnp.stack(p3d_list)
    p2d_all = jnp.stack(p2d_list)
    nz_all = jnp.stack(nz_list)
    uv9_all = jnp.stack(uv9_list)
    ren_ims, ren_masks, ren_probs = [], [], []
    for i in range(b):
        dist_ind = dist_inds[i]
        imfeat, improb_i = linear_rasterizer(W, H, p3d_all[dist_ind], p2d_all[dist_ind], nz_all[dist_ind], uv9_all[dist_ind])
        imtexcoords = imfeat[:, :, :, :2]
        hardmask = imfeat[:, :, :, 2:3]
        imrender_i = fragmentshader(imtexcoords, texture[dist_ind][None], hardmask)
        ren_ims.append(imrender_i); ren_probs.append(improb_i); ren_masks.append(hardmask)
    imrender = ren_ims[0]
    improb = ren_probs[0]
    fg_mask = ren_masks[0]
    for i in range(1, b):
        m = ren_masks[i] > 0.5
        imrender = jnp.where(m, ren_ims[i], imrender)
        improb = jnp.where(m, ren_probs[i], improb)
        fg_mask = jnp.where(m, ren_masks[i], fg_mask)
    return (imrender, improb, n1_list, fg_mask)

if __name__ == "__main__":
    import jax
    _d = setup_inputs()
    print(jax.jit(kernel)(*tuple(_d.values())))

</pallas_src>

<mosaic_0001>
#map = affine_map<(d0, d1) -> (0)>
module attributes {stable_mosaic.version = 14 : i64} {
  func.func @_accum_body(%arg0: i32, %arg1: i32, %arg2: memref<200704xi32, #tpu.memory_space<hbm>>, %arg3: memref<200704xf32, #tpu.memory_space<hbm>>, %arg4: memref<200704xf32, #tpu.memory_space<hbm>>, %arg5: memref<200704xf32, #tpu.memory_space<hbm>>, %arg6: memref<1048576xf32, #tpu.memory_space<hbm>>, %arg7: memref<3145728xf32, #tpu.memory_space<hbm>>, %arg8: memref<1572864xf32, #tpu.memory_space<vmem_shared>>, %arg9: memref<1568xi32, #tpu.memory_space<vmem>>, %arg10: memref<1568xf32, #tpu.memory_space<vmem>>, %arg11: memref<1568xf32, #tpu.memory_space<vmem>>, %arg12: memref<1568xf32, #tpu.memory_space<vmem>>, %arg13: memref<1568xi32, #tpu.memory_space<vmem>>, %arg14: memref<1568xf32, #tpu.memory_space<vmem>>, %arg15: memref<1568xf32, #tpu.memory_space<vmem>>, %arg16: memref<1568xf32, #tpu.memory_space<vmem>>, %arg17: memref<1568xf32, #tpu.memory_space<vmem>>, %arg18: memref<1568xi32, #tpu.memory_space<vmem>>, %arg19: memref<1568xi32, #tpu.memory_space<vmem>>, %arg20: memref<1568xi32, #tpu.memory_space<vmem>>, %arg21: memref<4096xf32, #tpu.memory_space<vmem>>, %arg22: memref<!tpu.dma_semaphore, #tpu.memory_space<semaphore_mem>>) attributes {dimension_semantics = [#tpu.dimension_semantics<core_parallel>, #tpu.dimension_semantics<subcore_parallel>], iteration_bounds = array<i64: 2, 16>, scalar_prefetch = 0 : i64, scratch_operands = 15 : i64, tpu.core_type = #tpu.core_type<sc_vector_subcore>, window_params = [{transform_indices = #map}, {transform_indices = #map}, {transform_indices = #map}, {transform_indices = #map}, {transform_indices = #map}, {transform_indices = #map}]} {
    %scan3A = arith.constant 0 : i32
    %scan3A_0 = arith.constant 256 : i32
    %scan3A_1 = arith.addi %scan3A, %scan3A_0 : i32
    %scan3A_2 = arith.constant 1 : i32
    scf.for %scan3A_319 = %scan3A to %scan3A_1 step %scan3A_2  : i32 {
      %broadcast_in_dim3A = arith.constant 0.000000e+00 : f32
      %broadcast_in_dim3A_320 = vector.broadcast %broadcast_in_dim3A : f32 to vector<16xf32>
      %mul3A_321 = arith.constant 16 : i32
      %mul3A_322 = arith.muli %scan3A_319, %mul3A_321 : i32
      %swap3A = arith.index_cast %mul3A_322 : i32 to index
      %swap3A_323 = tpu.vector_load %arg21[%swap3A] {strides = array<i32>} : memref<4096xf32, #tpu.memory_space<vmem>>, vector<16xf32>,
      %swap3A_324 = vector.shape_cast %swap3A_323 : vector<16xf32> to vector<16xf32>
      %swap3A_325 = vector.shape_cast %broadcast_in_dim3A_320 : vector<16xf32> to vector<16xf32>
      tpu.vector_store %arg21[%swap3A], %swap3A_325 {strides = array<i32>} : memref<4096xf32, #tpu.memory_space<vmem>>, vector<16xf32>,
    }
    %scan3A_3 = arith.constant 256 : i32
    %mul3A = arith.constant 16384 : i32
    %mul3A_4 = arith.muli %arg1, %mul3A : i32
    %add3A = arith.constant 0 : i32
    %add3A_5 = arith.addi %add3A, %mul3A_4 : i32
    %add3A_6 = arith.constant 0 : i32
    %add3A_7 = arith.addi %add3A_5, %add3A_6 : i32
    "tpu.region"() ({
      %run_scoped3A = tpu.sem_alloc : memref<!tpu.dma_semaphore, #tpu.memory_space<semaphore_mem>>
      %dma_start3A_319 = tpu.memref_slice %arg8[%add3A_7] : memref<1572864xf32, #tpu.memory_space<vmem_shared>> -> memref<4096xf32, #tpu.memory_space<vmem_shared>>
      %dma_start3A_320 = tpu.memref_slice %arg8[%add3A_7] : memref<1572864xf32, #tpu.memory_space<vmem_shared>> -> memref<4096xf32, #tpu.memory_space<vmem_shared>>
      tpu.enqueue_dma source(%arg21 : memref<4096xf32, #tpu.memory_space<vmem>>) target(%dma_start3A_320 : memref<4096xf32, #tpu.memory_space<vmem_shared>>) target_semaphore(%run_scoped3A : memref<!tpu.dma_semaphore, #tpu.memory_space<semaphore_mem>>)
      %dma_wait3A_321 = tpu.memref_slice %arg8[%add3A_7] : memref<1572864xf32, #tpu.memory_space<vmem_shared>> -> memref<4096xf32, #tpu.memory_space<vmem_shared>>
      %dma_wait3A_322 = tpu.memref_slice %arg8[%add3A_7] : memref<1572864xf32, #tpu.memory_space<vmem_shared>> -> memref<4096xf32, #tpu.memory_space<vmem_shared>>
      tpu.wait_dma2 semaphore(%run_scoped3A : memref<!tpu.dma_semaphore, #tpu.memory_space<semaphore_mem>>) src(%arg21 : memref<4096xf32, #tpu.memory_space<vmem>>) dst(%dma_wait3A_322 : memref<4096xf32, #tpu.memory_space<vmem_shared>>)
      tpu.yield
    }) : () -> ()
    %mul3A_8 = arith.constant 16384 : i32
    %mul3A_9 = arith.muli %arg1, %mul3A_8 : i32
    %add3A_10 = arith.constant 0 : i32
    %add3A_11 = arith.addi %add3A_10, %mul3A_9 : i32
    %add3A_12 = arith.constant 4096 : i32
    %add3A_13 = arith.addi %add3A_11, %add3A_12 : i32
    "tpu.region"() ({
      %run_scoped3A = tpu.sem_alloc : memref<!tpu.dma_semaphore, #tpu.memory_space<semaphore_mem>>
      %dma_start3A_319 = tpu.memref_slice %arg8[%add3A_13] : memref<1572864xf32, #tpu.memory_space<vmem_shared>> -> memref<4096xf32, #tpu.memory_space<vmem_shared>>
      %dma_start3A_320 = tpu.memref_slice %arg8[%add3A_13] : memref<1572864xf32, #tpu.memory_space<vmem_shared>> -> memref<4096xf32, #tpu.memory_space<vmem_shared>>
      tpu.enqueue_dma source(%arg21 : memref<4096xf32, #tpu.memory_space<vmem>>) target(%dma_start3A_320 : memref<4096xf32, #tpu.memory_space<vmem_shared>>) target_semaphore(%run_scoped3A : memref<!tpu.dma_semaphore, #tpu.memory_space<semaphore_mem>>)
      %dma_wait3A_321 = tpu.memref_slice %arg8[%add3A_13] : memref<1572864xf32, #tpu.memory_space<vmem_shared>> -> memref<4096xf32, #tpu.memory_space<vmem_shared>>
      %dma_wait3A_322 = tpu.memref_slice %arg8[%add3A_13] : memref<1572864xf32, #tpu.memory_space<vmem_shared>> -> memref<4096xf32, #tpu.memory_space<vmem_shared>>
      tpu.wait_dma2 semaphore(%run_scoped3A : memref<!tpu.dma_semaphore, #tpu.memory_space<semaphore_mem>>) src(%arg21 : memref<4096xf32, #tpu.memory_space<vmem>>) dst(%dma_wait3A_322 : memref<4096xf32, #tpu.memory_space<vmem_shared>>)
      tpu.yield
    }) : () -> ()
    %mul3A_14 = arith.constant 16384 : i32
    %mul3A_15 = arith.muli %arg1, %mul3A_14 : i32
    %add3A_16 = arith.constant 0 : i32
    %add3A_17 = arith.addi %add3A_16, %mul3A_15 : i32
    %add3A_18 = arith.constant 8192 : i32
    %add3A_19 = arith.addi %add3A_17, %add3A_18 : i32
    "tpu.region"() ({
      %run_scoped3A = tpu.sem_alloc : memref<!tpu.dma_semaphore, #tpu.memory_space<semaphore_mem>>
      %dma_start3A_319 = tpu.memref_slice %arg8[%add3A_19] : memref<1572864xf32, #tpu.memory_space<vmem_shared>> -> memref<4096xf32, #tpu.memory_space<vmem_shared>>
      %dma_start3A_320 = tpu.memref_slice %arg8[%add3A_19] : memref<1572864xf32, #tpu.memory_space<vmem_shared>> -> memref<4096xf32, #tpu.memory_space<vmem_shared>>
      tpu.enqueue_dma source(%arg21 : memref<4096xf32, #tpu.memory_space<vmem>>) target(%dma_start3A_320 : memref<4096xf32, #tpu.memory_space<vmem_shared>>) target_semaphore(%run_scoped3A : memref<!tpu.dma_semaphore, #tpu.memory_space<semaphore_mem>>)
      %dma_wait3A_321 = tpu.memref_slice %arg8[%add3A_19] : memref<1572864xf32, #tpu.memory_space<vmem_shared>> -> memref<4096xf32, #tpu.memory_space<vmem_shared>>
      %dma_wait3A_322 = tpu.memref_slice %arg8[%add3A_19] : memref<1572864xf32, #tpu.memory_space<vmem_shared>> -> memref<4096xf32, #tpu.memory_space<vmem_shared>>
      tpu.wait_dma2 semaphore(%run_scoped3A : memref<!tpu.dma_semaphore, #tpu.memory_space<semaphore_mem>>) src(%arg21 : memref<4096xf32, #tpu.memory_space<vmem>>) dst(%dma_wait3A_322 : memref<4096xf32, #tpu.memory_space<vmem_shared>>)
      tpu.yield
    }) : () -> ()
    %mul3A_20 = arith.constant 16384 : i32
    %mul3A_21 = arith.muli %arg1, %mul3A_20 : i32
    %add3A_22 = arith.constant 0 : i32
    %add3A_23 = arith.addi %add3A_22, %mul3A_21 : i32
    %add3A_24 = arith.constant 12288 : i32
    %add3A_25 = arith.addi %add3A_23, %add3A_24 : i32
    "tpu.region"() ({
      %run_scoped3A = tpu.sem_alloc : memref<!tpu.dma_semaphore, #tpu.memory_space<semaphore_mem>>
      %dma_start3A_319 = tpu.memref_slice %arg8[%add3A_25] : memref<1572864xf32, #tpu.memory_space<vmem_shared>> -> memref<4096xf32, #tpu.memory_space<vmem_shared>>
      %dma_start3A_320 = tpu.memref_slice %arg8[%add3A_25] : memref<1572864xf32, #tpu.memory_space<vmem_shared>> -> memref<4096xf32, #tpu.memory_space<vmem_shared>>
      tpu.enqueue_dma source(%arg21 : memref<4096xf32, #tpu.memory_space<vmem>>) target(%dma_start3A_320 : memref<4096xf32, #tpu.memory_space<vmem_shared>>) target_semaphore(%run_scoped3A : memref<!tpu.dma_semaphore, #tpu.memory_space<semaphore_mem>>)
      %dma_wait3A_321 = tpu.memref_slice %arg8[%add3A_25] : memref<1572864xf32, #tpu.memory_space<vmem_shared>> -> memref<4096xf32, #tpu.memory_space<vmem_shared>>
      %dma_wait3A_322 = tpu.memref_slice %arg8[%add3A_25] : memref<1572864xf32, #tpu.memory_space<vmem_shared>> -> memref<4096xf32, #tpu.memory_space<vmem_shared>>
      tpu.wait_dma2 semaphore(%run_scoped3A : memref<!tpu.dma_semaphore, #tpu.memory_space<semaphore_mem>>) src(%arg21 : memref<4096xf32, #tpu.memory_space<vmem>>) dst(%dma_wait3A_322 : memref<4096xf32, #tpu.memory_space<vmem_shared>>)
      tpu.yield
    }) : () -> ()
    %mul3A_26 = arith.constant 16384 : i32
    %mul3A_27 = arith.muli %arg1, %mul3A_26 : i32
    %add3A_28 = arith.constant 262144 : i32
    %add3A_29 = arith.addi %add3A_28, %mul3A_27 : i32
    %add3A_30 = arith.constant 0 : i32
    %add3A_31 = arith.addi %add3A_29, %add3A_30 : i32
    "tpu.region"() ({
      %run_scoped3A = tpu.sem_alloc : memref<!tpu.dma_semaphore, #tpu.memory_space<semaphore_mem>>
      %dma_start3A_319 = tpu.memref_slice %arg8[%add3A_31] : memref<1572864xf32, #tpu.memory_space<vmem_shared>> -> memref<4096xf32, #tpu.memory_space<vmem_shared>>
      %dma_start3A_320 = tpu.memref_slice %arg8[%add3A_31] : memref<1572864xf32, #tpu.memory_space<vmem_shared>> -> memref<4096xf32, #tpu.memory_space<vmem_shared>>
      tpu.enqueue_dma source(%arg21 : memref<4096xf32, #tpu.memory_space<vmem>>) target(%dma_start3A_320 : memref<4096xf32, #tpu.memory_space<vmem_shared>>) target_semaphore(%run_scoped3A : memref<!tpu.dma_semaphore, #tpu.memory_space<semaphore_mem>>)
      %dma_wait3A_321 = tpu.memref_slice %arg8[%add3A_31] : memref<1572864xf32, #tpu.memory_space<vmem_shared>> -> memref<4096xf32, #tpu.memory_space<vmem_shared>>
      %dma_wait3A_322 = tpu.memref_slice %arg8[%add3A_31] : memref<1572864xf32, #tpu.memory_space<vmem_shared>> -> memref<4096xf32, #tpu.memory_space<vmem_shared>>
      tpu.wait_dma2 semaphore(%run_scoped3A : memref<!tpu.dma_semaphore, #tpu.memory_space<semaphore_mem>>) src(%arg21 : memref<4096xf32, #tpu.memory_space<vmem>>) dst(%dma_wait3A_322 : memref<4096xf32, #tpu.memory_space<vmem_shared>>)
      tpu.yield
    }) : () -> ()
    %mul3A_32 = arith.constant 16384 : i32
    %mul3A_33 = arith.muli %arg1, %mul3A_32 : i32
    %add3A_34 = arith.constant 262144 : i32
    %add3A_35 = arith.addi %add3A_34, %mul3A_33 : i32
    %add3A_36 = arith.constant 4096 : i32
    %add3A_37 = arith.addi %add3A_35, %add3A_36 : i32
    "tpu.region"() ({
      %run_scoped3A = tpu.sem_alloc : memref<!tpu.dma_semaphore, #tpu.memory_space<semaphore_mem>>
      %dma_start3A_319 = tpu.memref_slice %arg8[%add3A_37] : memref<1572864xf32, #tpu.memory_space<vmem_shared>> -> memref<4096xf32, #tpu.memory_space<vmem_shared>>
      %dma_start3A_320 = tpu.memref_slice %arg8[%add3A_37] : memref<1572864xf32, #tpu.memory_space<vmem_shared>> -> memref<4096xf32, #tpu.memory_space<vmem_shared>>
      tpu.enqueue_dma source(%arg21 : memref<4096xf32, #tpu.memory_space<vmem>>) target(%dma_start3A_320 : memref<4096xf32, #tpu.memory_space<vmem_shared>>) target_semaphore(%run_scoped3A : memref<!tpu.dma_semaphore, #tpu.memory_space<semaphore_mem>>)
      %dma_wait3A_321 = tpu.memref_slice %arg8[%add3A_37] : memref<1572864xf32, #tpu.memory_space<vmem_shared>> -> memref<4096xf32, #tpu.memory_space<vmem_shared>>
      %dma_wait3A_322 = tpu.memref_slice %arg8[%add3A_37] : memref<1572864xf32, #tpu.memory_space<vmem_shared>> -> memref<4096xf32, #tpu.memory_space<vmem_shared>>
      tpu.wait_dma2 semaphore(%run_scoped3A : memref<!tpu.dma_semaphore, #tpu.memory_space<semaphore_mem>>) src(%arg21 : memref<4096xf32, #tpu.memory_space<vmem>>) dst(%dma_wait3A_322 : memref<4096xf32, #tpu.memory_space<vmem_shared>>)
      tpu.yield
    }) : () -> ()
    %mul3A_38 = arith.constant 16384 : i32
    %mul3A_39 = arith.muli %arg1, %mul3A_38 : i32
    %add3A_40 = arith.constant 262144 : i32
    %add3A_41 = arith.addi %add3A_40, %mul3A_39 : i32
    %add3A_42 = arith.constant 8192 : i32
    %add3A_43 = arith.addi %add3A_41, %add3A_42 : i32
    "tpu.region"() ({
      %run_scoped3A = tpu.sem_alloc : memref<!tpu.dma_semaphore, #tpu.memory_space<semaphore_mem>>
      %dma_start3A_319 = tpu.memref_slice %arg8[%add3A_43] : memref<1572864xf32, #tpu.memory_space<vmem_shared>> -> memref<4096xf32, #tpu.memory_space<vmem_shared>>
      %dma_start3A_320 = tpu.memref_slice %arg8[%add3A_43] : memref<1572864xf32, #tpu.memory_space<vmem_shared>> -> memref<4096xf32, #tpu.memory_space<vmem_shared>>
      tpu.enqueue_dma source(%arg21 : memref<4096xf32, #tpu.memory_space<vmem>>) target(%dma_start3A_320 : memref<4096xf32, #tpu.memory_space<vmem_shared>>) target_semaphore(%run_scoped3A : memref<!tpu.dma_semaphore, #tpu.memory_space<semaphore_mem>>)
      %dma_wait3A_321 = tpu.memref_slice %arg8[%add3A_43] : memref<1572864xf32, #tpu.memory_space<vmem_shared>> -> memref<4096xf32, #tpu.memory_space<vmem_shared>>
      %dma_wait3A_322 = tpu.memref_slice %arg8[%add3A_43] : memref<1572864xf32, #tpu.memory_space<vmem_shared>> -> memref<4096xf32, #tpu.memory_space<vmem_shared>>
      tpu.wait_dma2 semaphore(%run_scoped3A : memref<!tpu.dma_semaphore, #tpu.memory_space<semaphore_mem>>) src(%arg21 : memref<4096xf32, #tpu.memory_space<vmem>>) dst(%dma_wait3A_322 : memref<4096xf32, #tpu.memory_space<vmem_shared>>)
      tpu.yield
    }) : () -> ()
    %mul3A_44 = arith.constant 16384 : i32
    %mul3A_45 = arith.muli %arg1, %mul3A_44 : i32
    %add3A_46 = arith.constant 262144 : i32
    %add3A_47 = arith.addi %add3A_46, %mul3A_45 : i32
    %add3A_48 = arith.constant 12288 : i32
    %add3A_49 = arith.addi %add3A_47, %add3A_48 : i32
    "tpu.region"() ({
      %run_scoped3A = tpu.sem_alloc : memref<!tpu.dma_semaphore, #tpu.memory_space<semaphore_mem>>
      %dma_start3A_319 = tpu.memref_slice %arg8[%add3A_49] : memref<1572864xf32, #tpu.memory_space<vmem_shared>> -> memref<4096xf32, #tpu.memory_space<vmem_shared>>
      %dma_start3A_320 = tpu.memref_slice %arg8[%add3A_49] : memref<1572864xf32, #tpu.memory_space<vmem_shared>> -> memref<4096xf32, #tpu.memory_space<vmem_shared>>
      tpu.enqueue_dma source(%arg21 : memref<4096xf32, #tpu.memory_space<vmem>>) target(%dma_start3A_320 : memref<4096xf32, #tpu.memory_space<vmem_shared>>) target_semaphore(%run_scoped3A : memref<!tpu.dma_semaphore, #tpu.memory_space<semaphore_mem>>)
      %dma_wait3A_321 = tpu.memref_slice %arg8[%add3A_49] : memref<1572864xf32, #tpu.memory_space<vmem_shared>> -> memref<4096xf32, #tpu.memory_space<vmem_shared>>
      %dma_wait3A_322 = tpu.memref_slice %arg8[%add3A_49] : memref<1572864xf32, #tpu.memory_space<vmem_shared>> -> memref<4096xf32, #tpu.memory_space<vmem_shared>>
      tpu.wait_dma2 semaphore(%run_scoped3A : memref<!tpu.dma_semaphore, #tpu.memory_space<semaphore_mem>>) src(%arg21 : memref<4096xf32, #tpu.memory_space<vmem>>) dst(%dma_wait3A_322 : memref<4096xf32, #tpu.memory_space<vmem_shared>>)
      tpu.yield
    }) : () -> ()
    %mul3A_50 = arith.constant 16384 : i32
    %mul3A_51 = arith.muli %arg1, %mul3A_50 : i32
    %add3A_52 = arith.constant 524288 : i32
    %add3A_53 = arith.addi %add3A_52, %mul3A_51 : i32
    %add3A_54 = arith.constant 0 : i32
    %add3A_55 = arith.addi %add3A_53, %add3A_54 : i32
    "tpu.region"() ({
      %run_scoped3A = tpu.sem_alloc : memref<!tpu.dma_semaphore, #tpu.memory_space<semaphore_mem>>
      %dma_start3A_319 = tpu.memref_slice %arg8[%add3A_55] : memref<1572864xf32, #tpu.memory_space<vmem_shared>> -> memref<4096xf32, #tpu.memory_space<vmem_shared>>
      %dma_start3A_320 = tpu.memref_slice %arg8[%add3A_55] : memref<1572864xf32, #tpu.memory_space<vmem_shared>> -> memref<4096xf32, #tpu.memory_space<vmem_shared>>
      tpu.enqueue_dma source(%arg21 : memref<4096xf32, #tpu.memory_space<vmem>>) target(%dma_start3A_320 : memref<4096xf32, #tpu.memory_space<vmem_shared>>) target_semaphore(%run_scoped3A : memref<!tpu.dma_semaphore, #tpu.memory_space<semaphore_mem>>)
      %dma_wait3A_321 = tpu.memref_slice %arg8[%add3A_55] : memref<1572864xf32, #tpu.memory_space<vmem_shared>> -> memref<4096xf32, #tpu.memory_space<vmem_shared>>
      %dma_wait3A_322 = tpu.memref_slice %arg8[%add3A_55] : memref<1572864xf32, #tpu.memory_space<vmem_shared>> -> memref<4096xf32, #tpu.memory_space<vmem_shared>>
      tpu.wait_dma2 semaphore(%run_scoped3A : memref<!tpu.dma_semaphore, #tpu.memory_space<semaphore_mem>>) src(%arg21 : memref<4096xf32, #tpu.memory_space<vmem>>) dst(%dma_wait3A_322 : memref<4096xf32, #tpu.memory_space<vmem_shared>>)
      tpu.yield
    }) : () -> ()
    %mul3A_56 = arith.constant 16384 : i32
    %mul3A_57 = arith.muli %arg1, %mul3A_56 : i32
    %add3A_58 = arith.constant 524288 : i32
    %add3A_59 = arith.addi %add3A_58, %mul3A_57 : i32
    %add3A_60 = arith.constant 4096 : i32
    %add3A_61 = arith.addi %add3A_59, %add3A_60 : i32
    "tpu.region"() ({
      %run_scoped3A = tpu.sem_alloc : memref<!tpu.dma_semaphore, #tpu.memory_space<semaphore_mem>>
      %dma_start3A_319 = tpu.memref_slice %arg8[%add3A_61] : memref<1572864xf32, #tpu.memory_space<vmem_shared>> -> memref<4096xf32, #tpu.memory_space<vmem_shared>>
      %dma_start3A_320 = tpu.memref_slice %arg8[%add3A_61] : memref<1572864xf32, #tpu.memory_space<vmem_shared>> -> memref<4096xf32, #tpu.memory_space<vmem_shared>>
      tpu.enqueue_dma source(%arg21 : memref<4096xf32, #tpu.memory_space<vmem>>) target(%dma_start3A_320 : memref<4096xf32, #tpu.memory_space<vmem_shared>>) target_semaphore(%run_scoped3A : memref<!tpu.dma_semaphore, #tpu.memory_space<semaphore_mem>>)
      %dma_wait3A_321 = tpu.memref_slice %arg8[%add3A_61] : memref<1572864xf32, #tpu.memory_space<vmem_shared>> -> memref<4096xf32, #tpu.memory_space<vmem_shared>>
      %dma_wait3A_322 = tpu.memref_slice %arg8[%add3A_61] : memref<1572864xf32, #tpu.memory_space<vmem_shared>> -> memref<4096xf32, #tpu.memory_space<vmem_shared>>
      tpu.wait_dma2 semaphore(%run_scoped3A : memref<!tpu.dma_semaphore, #tpu.memory_space<semaphore_mem>>) src(%arg21 : memref<4096xf32, #tpu.memory_space<vmem>>) dst(%dma_wait3A_322 : memref<4096xf32, #tpu.memory_space<vmem_shared>>)
      tpu.yield
    }) : () -> ()
    %mul3A_62 = arith.constant 16384 : i32
    %mul3A_63 = arith.muli %arg1, %mul3A_62 : i32
    %add3A_64 = arith.constant 524288 : i32
    %add3A_65 = arith.addi %add3A_64, %mul3A_63 : i32
    %add3A_66 = arith.constant 8192 : i32
    %add3A_67 = arith.addi %add3A_65, %add3A_66 : i32
    "tpu.region"() ({
      %run_scoped3A = tpu.sem_alloc : memref<!tpu.dma_semaphore, #tpu.memory_space<semaphore_mem>>
      %dma_start3A_319 = tpu.memref_slice %arg8[%add3A_67] : memref<1572864xf32, #tpu.memory_space<vmem_shared>> -> memref<4096xf32, #tpu.memory_space<vmem_shared>>
      %dma_start3A_320 = tpu.memref_slice %arg8[%add3A_67] : memref<1572864xf32, #tpu.memory_space<vmem_shared>> -> memref<4096xf32, #tpu.memory_space<vmem_shared>>
      tpu.enqueue_dma source(%arg21 : memref<4096xf32, #tpu.memory_space<vmem>>) target(%dma_start3A_320 : memref<4096xf32, #tpu.memory_space<vmem_shared>>) target_semaphore(%run_scoped3A : memref<!tpu.dma_semaphore, #tpu.memory_space<semaphore_mem>>)
      %dma_wait3A_321 = tpu.memref_slice %arg8[%add3A_67] : memref<1572864xf32, #tpu.memory_space<vmem_shared>> -> memref<4096xf32, #tpu.memory_space<vmem_shared>>
      %dma_wait3A_322 = tpu.memref_slice %arg8[%add3A_67] : memref<1572864xf32, #tpu.memory_space<vmem_shared>> -> memref<4096xf32, #tpu.memory_space<vmem_shared>>
      tpu.wait_dma2 semaphore(%run_scoped3A : memref<!tpu.dma_semaphore, #tpu.memory_space<semaphore_mem>>) src(%arg21 : memref<4096xf32, #tpu.memory_space<vmem>>) dst(%dma_wait3A_322 : memref<4096xf32, #tpu.memory_space<vmem_shared>>)
      tpu.yield
    }) : () -> ()
    %mul3A_68 = arith.constant 16384 : i32
    %mul3A_69 = arith.muli %arg1, %mul3A_68 : i32
    %add3A_70 = arith.constant 524288 : i32
    %add3A_71 = arith.addi %add3A_70, %mul3A_69 : i32
    %add3A_72 = arith.constant 12288 : i32
    %add3A_73 = arith.addi %add3A_71, %add3A_72 : i32
    "tpu.region"() ({
      %run_scoped3A = tpu.sem_alloc : memref<!tpu.dma_semaphore, #tpu.memory_space<semaphore_mem>>
      %dma_start3A_319 = tpu.memref_slice %arg8[%add3A_73] : memref<1572864xf32, #tpu.memory_space<vmem_shared>> -> memref<4096xf32, #tpu.memory_space<vmem_shared>>
      %dma_start3A_320 = tpu.memref_slice %arg8[%add3A_73] : memref<1572864xf32, #tpu.memory_space<vmem_shared>> -> memref<4096xf32, #tpu.memory_space<vmem_shared>>
      tpu.enqueue_dma source(%arg21 : memref<4096xf32, #tpu.memory_space<vmem>>) target(%dma_start3A_320 : memref<4096xf32, #tpu.memory_space<vmem_shared>>) target_semaphore(%run_scoped3A : memref<!tpu.dma_semaphore, #tpu.memory_space<semaphore_mem>>)
      %dma_wait3A_321 = tpu.memref_slice %arg8[%add3A_73] : memref<1572864xf32, #tpu.memory_space<vmem_shared>> -> memref<4096xf32, #tpu.memory_space<vmem_shared>>
      %dma_wait3A_322 = tpu.memref_slice %arg8[%add3A_73] : memref<1572864xf32, #tpu.memory_space<vmem_shared>> -> memref<4096xf32, #tpu.memory_space<vmem_shared>>
      tpu.wait_dma2 semaphore(%run_scoped3A : memref<!tpu.dma_semaphore, #tpu.memory_space<semaphore_mem>>) src(%arg21 : memref<4096xf32, #tpu.memory_space<vmem>>) dst(%dma_wait3A_322 : memref<4096xf32, #tpu.memory_space<vmem_shared>>)
      tpu.yield
    }) : () -> ()
    %mul3A_74 = arith.constant 16384 : i32
    %mul3A_75 = arith.muli %arg1, %mul3A_74 : i32
    %add3A_76 = arith.constant 786432 : i32
    %add3A_77 = arith.addi %add3A_76, %mul3A_75 : i32
    %add3A_78 = arith.constant 0 : i32
    %add3A_79 = arith.addi %add3A_77, %add3A_78 : i32
    "tpu.region"() ({
      %run_scoped3A = tpu.sem_alloc : memref<!tpu.dma_semaphore, #tpu.memory_space<semaphore_mem>>
      %dma_start3A_319 = tpu.memref_slice %arg8[%add3A_79] : memref<1572864xf32, #tpu.memory_space<vmem_shared>> -> memref<4096xf32, #tpu.memory_space<vmem_shared>>
      %dma_start3A_320 = tpu.memref_slice %arg8[%add3A_79] : memref<1572864xf32, #tpu.memory_space<vmem_shared>> -> memref<4096xf32, #tpu.memory_space<vmem_shared>>
      tpu.enqueue_dma source(%arg21 : memref<4096xf32, #tpu.memory_space<vmem>>) target(%dma_start3A_320 : memref<4096xf32, #tpu.memory_space<vmem_shared>>) target_semaphore(%run_scoped3A : memref<!tpu.dma_semaphore, #tpu.memory_space<semaphore_mem>>)
      %dma_wait3A_321 = tpu.memref_slice %arg8[%add3A_79] : memref<1572864xf32, #tpu.memory_space<vmem_shared>> -> memref<4096xf32, #tpu.memory_space<vmem_shared>>
      %dma_wait3A_322 = tpu.memref_slice %arg8[%add3A_79] : memref<1572864xf32, #tpu.memory_space<vmem_shared>> -> memref<4096xf32, #tpu.memory_space<vmem_shared>>
      tpu.wait_dma2 semaphore(%run_scoped3A : memref<!tpu.dma_semaphore, #tpu.memory_space<semaphore_mem>>) src(%arg21 : memref<4096xf32, #tpu.memory_space<vmem>>) dst(%dma_wait3A_322 : memref<4096xf32, #tpu.memory_space<vmem_shared>>)
      tpu.yield
    }) : () -> ()
    %mul3A_80 = arith.constant 16384 : i32
    %mul3A_81 = arith.muli %arg1, %mul3A_80 : i32
    %add3A_82 = arith.constant 786432 : i32
    %add3A_83 = arith.addi %add3A_82, %mul3A_81 : i32
    %add3A_84 = arith.constant 4096 : i32
    %add3A_85 = arith.addi %add3A_83, %add3A_84 : i32
    "tpu.region"() ({
      %run_scoped3A = tpu.sem_alloc : memref<!tpu.dma_semaphore, #tpu.memory_space<semaphore_mem>>
      %dma_start3A_319 = tpu.memref_slice %arg8[%add3A_85] : memref<1572864xf32, #tpu.memory_space<vmem_shared>> -> memref<4096xf32, #tpu.memory_space<vmem_shared>>
      %dma_start3A_320 = tpu.memref_slice %arg8[%add3A_85] : memref<1572864xf32, #tpu.memory_space<vmem_shared>> -> memref<4096xf32, #tpu.memory_space<vmem_shared>>
      tpu.enqueue_dma source(%arg21 : memref<4096xf32, #tpu.memory_space<vmem>>) target(%dma_start3A_320 : memref<4096xf32, #tpu.memory_space<vmem_shared>>) target_semaphore(%run_scoped3A : memref<!tpu.dma_semaphore, #tpu.memory_space<semaphore_mem>>)
      %dma_wait3A_321 = tpu.memref_slice %arg8[%add3A_85] : memref<1572864xf32, #tpu.memory_space<vmem_shared>> -> memref<4096xf32, #tpu.memory_space<vmem_shared>>
      %dma_wait3A_322 = tpu.memref_slice %arg8[%add3A_85] : memref<1572864xf32, #tpu.memory_space<vmem_shared>> -> memref<4096xf32, #tpu.memory_space<vmem_shared>>
      tpu.wait_dma2 semaphore(%run_scoped3A : memref<!tpu.dma_semaphore, #tpu.memory_space<semaphore_mem>>) src(%arg21 : memref<4096xf32, #tpu.memory_space<vmem>>) dst(%dma_wait3A_322 : memref<4096xf32, #tpu.memory_space<vmem_shared>>)
      tpu.yield
    }) : () -> ()
    %mul3A_86 = arith.constant 16384 : i32
    %mul3A_87 = arith.muli %arg1, %mul3A_86 : i32
    %add3A_88 = arith.constant 786432 : i32
    %add3A_89 = arith.addi %add3A_88, %mul3A_87 : i32
    %add3A_90 = arith.constant 8192 : i32
    %add3A_91 = arith.addi %add3A_89, %add3A_90 : i32
    "tpu.region"() ({
      %run_scoped3A = tpu.sem_alloc : memref<!tpu.dma_semaphore, #tpu.memory_space<semaphore_mem>>
      %dma_start3A_319 = tpu.memref_slice %arg8[%add3A_91] : memref<1572864xf32, #tpu.memory_space<vmem_shared>> -> memref<4096xf32, #tpu.memory_space<vmem_shared>>
      %dma_start3A_320 = tpu.memref_slice %arg8[%add3A_91] : memref<1572864xf32, #tpu.memory_space<vmem_shared>> -> memref<4096xf32, #tpu.memory_space<vmem_shared>>
      tpu.enqueue_dma source(%arg21 : memref<4096xf32, #tpu.memory_space<vmem>>) target(%dma_start3A_320 : memref<4096xf32, #tpu.memory_space<vmem_shared>>) target_semaphore(%run_scoped3A : memref<!tpu.dma_semaphore, #tpu.memory_space<semaphore_mem>>)
      %dma_wait3A_321 = tpu.memref_slice %arg8[%add3A_91] : memref<1572864xf32, #tpu.memory_space<vmem_shared>> -> memref<4096xf32, #tpu.memory_space<vmem_shared>>
      %dma_wait3A_322 = tpu.memref_slice %arg8[%add3A_91] : memref<1572864xf32, #tpu.memory_space<vmem_shared>> -> memref<4096xf32, #tpu.memory_space<vmem_shared>>
      tpu.wait_dma2 semaphore(%run_scoped3A : memref<!tpu.dma_semaphore, #tpu.memory_space<semaphore_mem>>) src(%arg21 : memref<4096xf32, #tpu.memory_space<vmem>>) dst(%dma_wait3A_322 : memref<4096xf32, #tpu.memory_space<vmem_shared>>)
      tpu.yield
    }) : () -> ()
    %mul3A_92 = arith.constant 16384 : i32
    %mul3A_93 = arith.muli %arg1, %mul3A_92 : i32
    %add3A_94 = arith.constant 786432 : i32
    %add3A_95 = arith.addi %add3A_94, %mul3A_93 : i32
    %add3A_96 = arith.constant 12288 : i32
    %add3A_97 = arith.addi %add3A_95, %add3A_96 : i32
    "tpu.region"() ({
      %run_scoped3A = tpu.sem_alloc : memref<!tpu.dma_semaphore, #tpu.memory_space<semaphore_mem>>
      %dma_start3A_319 = tpu.memref_slice %arg8[%add3A_97] : memref<1572864xf32, #tpu.memory_space<vmem_shared>> -> memref<4096xf32, #tpu.memory_space<vmem_shared>>
      %dma_start3A_320 = tpu.memref_slice %arg8[%add3A_97] : memref<1572864xf32, #tpu.memory_space<vmem_shared>> -> memref<4096xf32, #tpu.memory_space<vmem_shared>>
      tpu.enqueue_dma source(%arg21 : memref<4096xf32, #tpu.memory_space<vmem>>) target(%dma_start3A_320 : memref<4096xf32, #tpu.memory_space<vmem_shared>>) target_semaphore(%run_scoped3A : memref<!tpu.dma_semaphore, #tpu.memory_space<semaphore_mem>>)
      %dma_wait3A_321 = tpu.memref_slice %arg8[%add3A_97] : memref<1572864xf32, #tpu.memory_space<vmem_shared>> -> memref<4096xf32, #tpu.memory_space<vmem_shared>>
      %dma_wait3A_322 = tpu.memref_slice %arg8[%add3A_97] : memref<1572864xf32, #tpu.memory_space<vmem_shared>> -> memref<4096xf32, #tpu.memory_space<vmem_shared>>
      tpu.wait_dma2 semaphore(%run_scoped3A : memref<!tpu.dma_semaphore, #tpu.memory_space<semaphore_mem>>) src(%arg21 : memref<4096xf32, #tpu.memory_space<vmem>>) dst(%dma_wait3A_322 : memref<4096xf32, #tpu.memory_space<vmem_shared>>)
      tpu.yield
    }) : () -> ()
    %mul3A_98 = arith.constant 16384 : i32
    %mul3A_99 = arith.muli %arg1, %mul3A_98 : i32
    %add3A_100 = arith.constant 1048576 : i32
    %add3A_101 = arith.addi %add3A_100, %mul3A_99 : i32
    %add3A_102 = arith.constant 0 : i32
    %add3A_103 = arith.addi %add3A_101, %add3A_102 : i32
    "tpu.region"() ({
      %run_scoped3A = tpu.sem_alloc : memref<!tpu.dma_semaphore, #tpu.memory_space<semaphore_mem>>
      %dma_start3A_319 = tpu.memref_slice %arg8[%add3A_103] : memref<1572864xf32, #tpu.memory_space<vmem_shared>> -> memref<4096xf32, #tpu.memory_space<vmem_shared>>
      %dma_start3A_320 = tpu.memref_slice %arg8[%add3A_103] : memref<1572864xf32, #tpu.memory_space<vmem_shared>> -> memref<4096xf32, #tpu.memory_space<vmem_shared>>
      tpu.enqueue_dma source(%arg21 : memref<4096xf32, #tpu.memory_space<vmem>>) target(%dma_start3A_320 : memref<4096xf32, #tpu.memory_space<vmem_shared>>) target_semaphore(%run_scoped3A : memref<!tpu.dma_semaphore, #tpu.memory_space<semaphore_mem>>)
      %dma_wait3A_321 = tpu.memref_slice %arg8[%add3A_103] : memref<1572864xf32, #tpu.memory_space<vmem_shared>> -> memref<4096xf32, #tpu.memory_space<vmem_shared>>
      %dma_wait3A_322 = tpu.memref_slice %arg8[%add3A_103] : memref<1572864xf32, #tpu.memory_space<vmem_shared>> -> memref<4096xf32, #tpu.memory_space<vmem_shared>>
      tpu.wait_dma2 semaphore(%run_scoped3A : memref<!tpu.dma_semaphore, #tpu.memory_space<semaphore_mem>>) src(%arg21 : memref<4096xf32, #tpu.memory_space<vmem>>) dst(%dma_wait3A_322 : memref<4096xf32, #tpu.memory_space<vmem_shared>>)
      tpu.yield
    }) : () -> ()
    %mul3A_104 = arith.constant 16384 : i32
    %mul3A_105 = arith.muli %arg1, %mul3A_104 : i32
    %add3A_106 = arith.constant 1048576 : i32
    %add3A_107 = arith.addi %add3A_106, %mul3A_105 : i32
    %add3A_108 = arith.constant 4096 : i32
    %add3A_109 = arith.addi %add3A_107, %add3A_108 : i32
    "tpu.region"() ({
      %run_scoped3A = tpu.sem_alloc : memref<!tpu.dma_semaphore, #tpu.memory_space<semaphore_mem>>
      %dma_start3A_319 = tpu.memref_slice %arg8[%add3A_109] : memref<1572864xf32, #tpu.memory_space<vmem_shared>> -> memref<4096xf32, #tpu.memory_space<vmem_shared>>
      %dma_start3A_320 = tpu.memref_slice %arg8[%add3A_109] : memref<1572864xf32, #tpu.memory_space<vmem_shared>> -> memref<4096xf32, #tpu.memory_space<vmem_shared>>
      tpu.enqueue_dma source(%arg21 : memref<4096xf32, #tpu.memory_space<vmem>>) target(%dma_start3A_320 : memref<4096xf32, #tpu.memory_space<vmem_shared>>) target_semaphore(%run_scoped3A : memref<!tpu.dma_semaphore, #tpu.memory_space<semaphore_mem>>)
      %dma_wait3A_321 = tpu.memref_slice %arg8[%add3A_109] : memref<1572864xf32, #tpu.memory_space<vmem_shared>> -> memref<4096xf32, #tpu.memory_space<vmem_shared>>
      %dma_wait3A_322 = tpu.memref_slice %arg8[%add3A_109] : memref<1572864xf32, #tpu.memory_space<vmem_shared>> -> memref<4096xf32, #tpu.memory_space<vmem_shared>>
      tpu.wait_dma2 semaphore(%run_scoped3A : memref<!tpu.dma_semaphore, #tpu.memory_space<semaphore_mem>>) src(%arg21 : memref<4096xf32, #tpu.memory_space<vmem>>) dst(%dma_wait3A_322 : memref<4096xf32, #tpu.memory_space<vmem_shared>>)
      tpu.yield
    }) : () -> ()
    %mul3A_110 = arith.constant 16384 : i32
    %mul3A_111 = arith.muli %arg1, %mul3A_110 : i32
    %add3A_112 = arith.constant 1048576 : i32
    %add3A_113 = arith.addi %add3A_112, %mul3A_111 : i32
    %add3A_114 = arith.constant 8192 : i32
    %add3A_115 = arith.addi %add3A_113, %add3A_114 : i32
    "tpu.region"() ({
      %run_scoped3A = tpu.sem_alloc : memref<!tpu.dma_semaphore, #tpu.memory_space<semaphore_mem>>
      %dma_start3A_319 = tpu.memref_slice %arg8[%add3A_115] : memref<1572864xf32, #tpu.memory_space<vmem_shared>> -> memref<4096xf32, #tpu.memory_space<vmem_shared>>
      %dma_start3A_320 = tpu.memref_slice %arg8[%add3A_115] : memref<1572864xf32, #tpu.memory_space<vmem_shared>> -> memref<4096xf32, #tpu.memory_space<vmem_shared>>
      tpu.enqueue_dma source(%arg21 : memref<4096xf32, #tpu.memory_space<vmem>>) target(%dma_start3A_320 : memref<4096xf32, #tpu.memory_space<vmem_shared>>) target_semaphore(%run_scoped3A : memref<!tpu.dma_semaphore, #tpu.memory_space<semaphore_mem>>)
      %dma_wait3A_321 = tpu.memref_slice %arg8[%add3A_115] : memref<1572864xf32, #tpu.memory_space<vmem_shared>> -> memref<4096xf32, #tpu.memory_space<vmem_shared>>
      %dma_wait3A_322 = tpu.memref_slice %arg8[%add3A_115] : memref<1572864xf32, #tpu.memory_space<vmem_shared>> -> memref<4096xf32, #tpu.memory_space<vmem_shared>>
      tpu.wait_dma2 semaphore(%run_scoped3A : memref<!tpu.dma_semaphore, #tpu.memory_space<semaphore_mem>>) src(%arg21 : memref<4096xf32, #tpu.memory_space<vmem>>) dst(%dma_wait3A_322 : memref<4096xf32, #tpu.memory_space<vmem_shared>>)
      tpu.yield
    }) : () -> ()
    %mul3A_116 = arith.constant 16384 : i32
    %mul3A_117 = arith.muli %arg1, %mul3A_116 : i32
    %add3A_118 = arith.constant 1048576 : i32
    %add3A_119 = arith.addi %add3A_118, %mul3A_117 : i32
    %add3A_120 = arith.constant 12288 : i32
    %add3A_121 = arith.addi %add3A_119, %add3A_120 : i32
    "tpu.region"() ({
      %run_scoped3A = tpu.sem_alloc : memref<!tpu.dma_semaphore, #tpu.memory_space<semaphore_mem>>
      %dma_start3A_319 = tpu.memref_slice %arg8[%add3A_121] : memref<1572864xf32, #tpu.memory_space<vmem_shared>> -> memref<4096xf32, #tpu.memory_space<vmem_shared>>
      %dma_start3A_320 = tpu.memref_slice %arg8[%add3A_121] : memref<1572864xf32, #tpu.memory_space<vmem_shared>> -> memref<4096xf32, #tpu.memory_space<vmem_shared>>
      tpu.enqueue_dma source(%arg21 : memref<4096xf32, #tpu.memory_space<vmem>>) target(%dma_start3A_320 : memref<4096xf32, #tpu.memory_space<vmem_shared>>) target_semaphore(%run_scoped3A : memref<!tpu.dma_semaphore, #tpu.memory_space<semaphore_mem>>)
      %dma_wait3A_321 = tpu.memref_slice %arg8[%add3A_121] : memref<1572864xf32, #tpu.memory_space<vmem_shared>> -> memref<4096xf32, #tpu.memory_space<vmem_shared>>
      %dma_wait3A_322 = tpu.memref_slice %arg8[%add3A_121] : memref<1572864xf32, #tpu.memory_space<vmem_shared>> -> memref<4096xf32, #tpu.memory_space<vmem_shared>>
      tpu.wait_dma2 semaphore(%run_scoped3A : memref<!tpu.dma_semaphore, #tpu.memory_space<semaphore_mem>>) src(%arg21 : memref<4096xf32, #tpu.memory_space<vmem>>) dst(%dma_wait3A_322 : memref<4096xf32, #tpu.memory_space<vmem_shared>>)
      tpu.yield
    }) : () -> ()
    %mul3A_122 = arith.constant 16384 : i32
    %mul3A_123 = arith.muli %arg1, %mul3A_122 : i32
    %add3A_124 = arith.constant 1310720 : i32
    %add3A_125 = arith.addi %add3A_124, %mul3A_123 : i32
    %add3A_126 = arith.constant 0 : i32
    %add3A_127 = arith.addi %add3A_125, %add3A_126 : i32
    "tpu.region"() ({
      %run_scoped3A = tpu.sem_alloc : memref<!tpu.dma_semaphore, #tpu.memory_space<semaphore_mem>>
      %dma_start3A_319 = tpu.memref_slice %arg8[%add3A_127] : memref<1572864xf32, #tpu.memory_space<vmem_shared>> -> memref<4096xf32, #tpu.memory_space<vmem_shared>>
      %dma_start3A_320 = tpu.memref_slice %arg8[%add3A_127] : memref<1572864xf32, #tpu.memory_space<vmem_shared>> -> memref<4096xf32, #tpu.memory_space<vmem_shared>>
      tpu.enqueue_dma source(%arg21 : memref<4096xf32, #tpu.memory_space<vmem>>) target(%dma_start3A_320 : memref<4096xf32, #tpu.memory_space<vmem_shared>>) target_semaphore(%run_scoped3A : memref<!tpu.dma_semaphore, #tpu.memory_space<semaphore_mem>>)
      %dma_wait3A_321 = tpu.memref_slice %arg8[%add3A_127] : memref<1572864xf32, #tpu.memory_space<vmem_shared>> -> memref<4096xf32, #tpu.memory_space<vmem_shared>>
      %dma_wait3A_322 = tpu.memref_slice %arg8[%add3A_127] : memref<1572864xf32, #tpu.memory_space<vmem_shared>> -> memref<4096xf32, #tpu.memory_space<vmem_shared>>
      tpu.wait_dma2 semaphore(%run_scoped3A : memref<!tpu.dma_semaphore, #tpu.memory_space<semaphore_mem>>) src(%arg21 : memref<4096xf32, #tpu.memory_space<vmem>>) dst(%dma_wait3A_322 : memref<4096xf32, #tpu.memory_space<vmem_shared>>)
      tpu.yield
    }) : () -> ()
    %mul3A_128 = arith.constant 16384 : i32
    %mul3A_129 = arith.muli %arg1, %mul3A_128 : i32
    %add3A_130 = arith.constant 1310720 : i32
    %add3A_131 = arith.addi %add3A_130, %mul3A_129 : i32
    %add3A_132 = arith.constant 4096 : i32
    %add3A_133 = arith.addi %add3A_131, %add3A_132 : i32
    "tpu.region"() ({
      %run_scoped3A = tpu.sem_alloc : memref<!tpu.dma_semaphore, #tpu.memory_space<semaphore_mem>>
      %dma_start3A_319 = tpu.memref_slice %arg8[%add3A_133] : memref<1572864xf32, #tpu.memory_space<vmem_shared>> -> memref<4096xf32, #tpu.memory_space<vmem_shared>>
      %dma_start3A_320 = tpu.memref_slice %arg8[%add3A_133] : memref<1572864xf32, #tpu.memory_space<vmem_shared>> -> memref<4096xf32, #tpu.memory_space<vmem_shared>>
      tpu.enqueue_dma source(%arg21 : memref<4096xf32, #tpu.memory_space<vmem>>) target(%dma_start3A_320 : memref<4096xf32, #tpu.memory_space<vmem_shared>>) target_semaphore(%run_scoped3A : memref<!tpu.dma_semaphore, #tpu.memory_space<semaphore_mem>>)
      %dma_wait3A_321 = tpu.memref_slice %arg8[%add3A_133] : memref<1572864xf32, #tpu.memory_space<vmem_shared>> -> memref<4096xf32, #tpu.memory_space<vmem_shared>>
      %dma_wait3A_322 = tpu.memref_slice %arg8[%add3A_133] : memref<1572864xf32, #tpu.memory_space<vmem_shared>> -> memref<4096xf32, #tpu.memory_space<vmem_shared>>
      tpu.wait_dma2 semaphore(%run_scoped3A : memref<!tpu.dma_semaphore, #tpu.memory_space<semaphore_mem>>) src(%arg21 : memref<4096xf32, #tpu.memory_space<vmem>>) dst(%dma_wait3A_322 : memref<4096xf32, #tpu.memory_space<vmem_shared>>)
      tpu.yield
    }) : () -> ()
    %mul3A_134 = arith.constant 16384 : i32
    %mul3A_135 = arith.muli %arg1, %mul3A_134 : i32
    %add3A_136 = arith.constant 1310720 : i32
    %add3A_137 = arith.addi %add3A_136, %mul3A_135 : i32
    %add3A_138 = arith.constant 8192 : i32
    %add3A_139 = arith.addi %add3A_137, %add3A_138 : i32
    "tpu.region"() ({
      %run_scoped3A = tpu.sem_alloc : memref<!tpu.dma_semaphore, #tpu.memory_space<semaphore_mem>>
      %dma_start3A_319 = tpu.memref_slice %arg8[%add3A_139] : memref<1572864xf32, #tpu.memory_space<vmem_shared>> -> memref<4096xf32, #tpu.memory_space<vmem_shared>>
      %dma_start3A_320 = tpu.memref_slice %arg8[%add3A_139] : memref<1572864xf32, #tpu.memory_space<vmem_shared>> -> memref<4096xf32, #tpu.memory_space<vmem_shared>>
      tpu.enqueue_dma source(%arg21 : memref<4096xf32, #tpu.memory_space<vmem>>) target(%dma_start3A_320 : memref<4096xf32, #tpu.memory_space<vmem_shared>>) target_semaphore(%run_scoped3A : memref<!tpu.dma_semaphore, #tpu.memory_space<semaphore_mem>>)
      %dma_wait3A_321 = tpu.memref_slice %arg8[%add3A_139] : memref<1572864xf32, #tpu.memory_space<vmem_shared>> -> memref<4096xf32, #tpu.memory_space<vmem_shared>>
      %dma_wait3A_322 = tpu.memref_slice %arg8[%add3A_139] : memref<1572864xf32, #tpu.memory_space<vmem_shared>> -> memref<4096xf32, #tpu.memory_space<vmem_shared>>
      tpu.wait_dma2 semaphore(%run_scoped3A : memref<!tpu.dma_semaphore, #tpu.memory_space<semaphore_mem>>) src(%arg21 : memref<4096xf32, #tpu.memory_space<vmem>>) dst(%dma_wait3A_322 : memref<4096xf32, #tpu.memory_space<vmem_shared>>)
      tpu.yield
    }) : () -> ()
    %mul3A_140 = arith.constant 16384 : i32
    %mul3A_141 = arith.muli %arg1, %mul3A_140 : i32
    %add3A_142 = arith.constant 1310720 : i32
    %add3A_143 = arith.addi %add3A_142, %mul3A_141 : i32
    %add3A_144 = arith.constant 12288 : i32
    %add3A_145 = arith.addi %add3A_143, %add3A_144 : i32
    "tpu.region"() ({
      %run_scoped3A = tpu.sem_alloc : memref<!tpu.dma_semaphore, #tpu.memory_space<semaphore_mem>>
      %dma_start3A_319 = tpu.memref_slice %arg8[%add3A_145] : memref<1572864xf32, #tpu.memory_space<vmem_shared>> -> memref<4096xf32, #tpu.memory_space<vmem_shared>>
      %dma_start3A_320 = tpu.memref_slice %arg8[%add3A_145] : memref<1572864xf32, #tpu.memory_space<vmem_shared>> -> memref<4096xf32, #tpu.memory_space<vmem_shared>>
      tpu.enqueue_dma source(%arg21 : memref<4096xf32, #tpu.memory_space<vmem>>) target(%dma_start3A_320 : memref<4096xf32, #tpu.memory_space<vmem_shared>>) target_semaphore(%run_scoped3A : memref<!tpu.dma_semaphore, #tpu.memory_space<semaphore_mem>>)
      %dma_wait3A_321 = tpu.memref_slice %arg8[%add3A_145] : memref<1572864xf32, #tpu.memory_space<vmem_shared>> -> memref<4096xf32, #tpu.memory_space<vmem_shared>>
      %dma_wait3A_322 = tpu.memref_slice %arg8[%add3A_145] : memref<1572864xf32, #tpu.memory_space<vmem_shared>> -> memref<4096xf32, #tpu.memory_space<vmem_shared>>
      tpu.wait_dma2 semaphore(%run_scoped3A : memref<!tpu.dma_semaphore, #tpu.memory_space<semaphore_mem>>) src(%arg21 : memref<4096xf32, #tpu.memory_space<vmem>>) dst(%dma_wait3A_322 : memref<4096xf32, #tpu.memory_space<vmem_shared>>)
      tpu.yield
    }) : () -> ()
    %barrier3A = arith.constant 0 : index
    tpu.barrier barrier_id(%barrier3A)
    %add3A_146 = arith.constant 0 : i32
    %add3A_147 = arith.addi %add3A_146, %arg0 : i32
    %mul3A_148 = arith.constant 50176 : i32
    %mul3A_149 = arith.muli %add3A_147, %mul3A_148 : i32
    %mul3A_150 = arith.constant 2 : i32
    %mul3A_151 = arith.muli %arg1, %mul3A_150 : i32
    %add3A_152 = arith.constant 0 : i32
    %add3A_153 = arith.addi %mul3A_151, %add3A_152 : i32
    %mul3A_154 = arith.constant 1568 : i32
    %mul3A_155 = arith.muli %add3A_153, %mul3A_154 : i32
    %add3A_156 = arith.addi %mul3A_149, %mul3A_155 : i32
    "tpu.region"() ({
      %run_scoped3A = tpu.sem_alloc : memref<!tpu.dma_semaphore, #tpu.memory_space<semaphore_mem>>
      %dma_start3A_319 = tpu.memref_slice %arg2[%add3A_156] : memref<200704xi32, #tpu.memory_space<hbm>> -> memref<1568xi32, #tpu.memory_space<hbm>>
      %dma_start3A_320 = tpu.memref_slice %arg2[%add3A_156] : memref<200704xi32, #tpu.memory_space<hbm>> -> memref<1568xi32, #tpu.memory_space<hbm>>
      tpu.enqueue_dma source(%dma_start3A_320 : memref<1568xi32, #tpu.memory_space<hbm>>) target(%arg9 : memref<1568xi32, #tpu.memory_space<vmem>>) target_semaphore(%run_scoped3A : memref<!tpu.dma_semaphore, #tpu.memory_space<semaphore_mem>>)
      %dma_wait3A_321 = tpu.memref_slice %arg2[%add3A_156] : memref<200704xi32, #tpu.memory_space<hbm>> -> memref<1568xi32, #tpu.memory_space<hbm>>
      %dma_wait3A_322 = tpu.memref_slice %arg2[%add3A_156] : memref<200704xi32, #tpu.memory_space<hbm>> -> memref<1568xi32, #tpu.memory_space<hbm>>
      tpu.wait_dma2 semaphore(%run_scoped3A : memref<!tpu.dma_semaphore, #tpu.memory_space<semaphore_mem>>) src(%dma_wait3A_322 : memref<1568xi32, #tpu.memory_space<hbm>>) dst(%arg9 : memref<1568xi32, #tpu.memory_space<vmem>>)
      tpu.yield
    }) : () -> ()
    "tpu.region"() ({
      %run_scoped3A = tpu.sem_alloc : memref<!tpu.dma_semaphore, #tpu.memory_space<semaphore_mem>>
      %dma_start3A_319 = tpu.memref_slice %arg3[%add3A_156] : memref<200704xf32, #tpu.memory_space<hbm>> -> memref<1568xf32, #tpu.memory_space<hbm>>
      %dma_start3A_320 = tpu.memref_slice %arg3[%add3A_156] : memref<200704xf32, #tpu.memory_space<hbm>> -> memref<1568xf32, #tpu.memory_space<hbm>>
      tpu.enqueue_dma source(%dma_start3A_320 : memref<1568xf32, #tpu.memory_space<hbm>>) target(%arg10 : memref<1568xf32, #tpu.memory_space<vmem>>) target_semaphore(%run_scoped3A : memref<!tpu.dma_semaphore, #tpu.memory_space<semaphore_mem>>)
      %dma_wait3A_321 = tpu.memref_slice %arg3[%add3A_156] : memref<200704xf32, #tpu.memory_space<hbm>> -> memref<1568xf32, #tpu.memory_space<hbm>>
      %dma_wait3A_322 = tpu.memref_slice %arg3[%add3A_156] : memref<200704xf32, #tpu.memory_space<hbm>> -> memref<1568xf32, #tpu.memory_space<hbm>>
      tpu.wait_dma2 semaphore(%run_scoped3A : memref<!tpu.dma_semaphore, #tpu.memory_space<semaphore_mem>>) src(%dma_wait3A_322 : memref<1568xf32, #tpu.memory_space<hbm>>) dst(%arg10 : memref<1568xf32, #tpu.memory_space<vmem>>)
      tpu.yield
    }) : () -> ()
    "tpu.region"() ({
      %run_scoped3A = tpu.sem_alloc : memref<!tpu.dma_semaphore, #tpu.memory_space<semaphore_mem>>
      %dma_start3A_319 = tpu.memref_slice %arg4[%add3A_156] : memref<200704xf32, #tpu.memory_space<hbm>> -> memref<1568xf32, #tpu.memory_space<hbm>>
      %dma_start3A_320 = tpu.memref_slice %arg4[%add3A_156] : memref<200704xf32, #tpu.memory_space<hbm>> -> memref<1568xf32, #tpu.memory_space<hbm>>
      tpu.enqueue_dma source(%dma_start3A_320 : memref<1568xf32, #tpu.memory_space<hbm>>) target(%arg11 : memref<1568xf32, #tpu.memory_space<vmem>>) target_semaphore(%run_scoped3A : memref<!tpu.dma_semaphore, #tpu.memory_space<semaphore_mem>>)
      %dma_wait3A_321 = tpu.memref_slice %arg4[%add3A_156] : memref<200704xf32, #tpu.memory_space<hbm>> -> memref<1568xf32, #tpu.memory_space<hbm>>
      %dma_wait3A_322 = tpu.memref_slice %arg4[%add3A_156] : memref<200704xf32, #tpu.memory_space<hbm>> -> memref<1568xf32, #tpu.memory_space<hbm>>
      tpu.wait_dma2 semaphore(%run_scoped3A : memref<!tpu.dma_semaphore, #tpu.memory_space<semaphore_mem>>) src(%dma_wait3A_322 : memref<1568xf32, #tpu.memory_space<hbm>>) dst(%arg11 : memref<1568xf32, #tpu.memory_space<vmem>>)
      tpu.yield
    }) : () -> ()
    "tpu.region"() ({
      %run_scoped3A = tpu.sem_alloc : memref<!tpu.dma_semaphore, #tpu.memory_space<semaphore_mem>>
      %dma_start3A_319 = tpu.memref_slice %arg5[%add3A_156] : memref<200704xf32, #tpu.memory_space<hbm>> -> memref<1568xf32, #tpu.memory_space<hbm>>
      %dma_start3A_320 = tpu.memref_slice %arg5[%add3A_156] : memref<200704xf32, #tpu.memory_space<hbm>> -> memref<1568xf32, #tpu.memory_space<hbm>>
      tpu.enqueue_dma source(%dma_start3A_320 : memref<1568xf32, #tpu.memory_space<hbm>>) target(%arg12 : memref<1568xf32, #tpu.memory_space<vmem>>) target_semaphore(%run_scoped3A : memref<!tpu.dma_semaphore, #tpu.memory_space<semaphore_mem>>)
      %dma_wait3A_321 = tpu.memref_slice %arg5[%add3A_156] : memref<200704xf32, #tpu.memory_space<hbm>> -> memref<1568xf32, #tpu.memory_space<hbm>>
      %dma_wait3A_322 = tpu.memref_slice %arg5[%add3A_156] : memref<200704xf32, #tpu.memory_space<hbm>> -> memref<1568xf32, #tpu.memory_space<hbm>>
      tpu.wait_dma2 semaphore(%run_scoped3A : memref<!tpu.dma_semaphore, #tpu.memory_space<semaphore_mem>>) src(%dma_wait3A_322 : memref<1568xf32, #tpu.memory_space<hbm>>) dst(%arg12 : memref<1568xf32, #tpu.memory_space<vmem>>)
      tpu.yield
    }) : () -> ()
    %scan3A_157 = arith.constant 0 : i32
    %scan3A_158 = arith.constant 98 : i32
    %scan3A_159 = arith.addi %scan3A_157, %scan3A_158 : i32
    %scan3A_160 = arith.constant 1 : i32
    scf.for %scan3A_319 = %scan3A_157 to %scan3A_159 step %scan3A_160  : i32 {
      %mul3A_320 = arith.constant 16 : i32
      %mul3A_321 = arith.muli %scan3A_319, %mul3A_320 : i32
      %mul3A_322 = arith.constant 262144 : i32
      %mul3A_323 = arith.muli %add3A_147, %mul3A_322 : i32
      %get3A = arith.index_cast %mul3A_321 : i32 to index
      %get3A_324 = tpu.vector_load %arg9[%get3A] {strides = array<i32>} : memref<1568xi32, #tpu.memory_space<vmem>>, vector<16xi32>,
      %get3A_325 = vector.shape_cast %get3A_324 : vector<16xi32> to vector<16xi32>
      %add3A_326 = vector.broadcast %mul3A_323 : i32 to vector<16xi32>
      %add3A_327 = arith.addi %add3A_326, %get3A_325 : vector<16xi32>
      %swap3A = arith.index_cast %mul3A_321 : i32 to index
      %swap3A_328 = tpu.vector_load %arg13[%swap3A] {strides = array<i32>} : memref<1568xi32, #tpu.memory_space<vmem>>, vector<16xi32>,
      %swap3A_329 = vector.shape_cast %swap3A_328 : vector<16xi32> to vector<16xi32>
      %swap3A_330 = vector.shape_cast %add3A_327 : vector<16xi32> to vector<16xi32>
      tpu.vector_store %arg13[%swap3A], %swap3A_330 {strides = array<i32>} : memref<1568xi32, #tpu.memory_space<vmem>>, vector<16xi32>,
    }
    %scan3A_161 = arith.constant 98 : i32
    %dma_start3A = arith.constant 0 : i32
    %dma_start3A_162 = tpu.memref_slice %arg6[%dma_start3A] : memref<1048576xf32, #tpu.memory_space<hbm>> -> memref<1048576xf32, #tpu.memory_space<hbm>>
    tpu.enqueue_indirect_dma source(%dma_start3A_162 : memref<1048576xf32, #tpu.memory_space<hbm>>) target(%arg14 : memref<1568xf32, #tpu.memory_space<vmem>>) offsets(%arg13 : memref<1568xi32, #tpu.memory_space<vmem>>) semaphore(%arg22 : memref<!tpu.dma_semaphore, #tpu.memory_space<semaphore_mem>>)
    %dma_wait3A = arith.constant 0 : i32
    %dma_wait3A_163 = tpu.memref_slice %arg6[%dma_wait3A] : memref<1048576xf32, #tpu.memory_space<hbm>> -> memref<1048576xf32, #tpu.memory_space<hbm>>
    tpu.wait_indirect_dma semaphore(%arg22 : memref<!tpu.dma_semaphore, #tpu.memory_space<semaphore_mem>>) src(%dma_wait3A_163 : memref<1048576xf32, #tpu.memory_space<hbm>>) dst(%arg14 : memref<1568xf32, #tpu.memory_space<vmem>>)
    %scan3A_164 = arith.constant 0 : i32
    %scan3A_165 = arith.constant 98 : i32
    %scan3A_166 = arith.addi %scan3A_164, %scan3A_165 : i32
    %scan3A_167 = arith.constant 1 : i32
    scf.for %scan3A_319 = %scan3A_164 to %scan3A_166 step %scan3A_167  : i32 {
      %mul3A_320 = arith.constant 16 : i32
      %mul3A_321 = arith.muli %scan3A_319, %mul3A_320 : i32
      %get3A = arith.index_cast %mul3A_321 : i32 to index
      %get3A_322 = tpu.vector_load %arg9[%get3A] {strides = array<i32>} : memref<1568xi32, #tpu.memory_space<vmem>>, vector<16xi32>,
      %get3A_323 = vector.shape_cast %get3A_322 : vector<16xi32> to vector<16xi32>
      %get3A_324 = arith.index_cast %mul3A_321 : i32 to index
      %get3A_325 = tpu.vector_load %arg10[%get3A_324] {strides = array<i32>} : memref<1568xf32, #tpu.memory_space<vmem>>, vector<16xf32>,
      %get3A_326 = vector.shape_cast %get3A_325 : vector<16xf32> to vector<16xf32>
      %gt3A = arith.constant 0xFF800000 : f32
      %gt3A_327 = vector.broadcast %gt3A : f32 to vector<16xf32>
      %gt3A_328 = arith.cmpf ogt, %get3A_326, %gt3A_327 : vector<16xf32>
      %get3A_329 = arith.index_cast %mul3A_321 : i32 to index
      %get3A_330 = tpu.vector_load %arg14[%get3A_329] {strides = array<i32>} : memref<1568xf32, #tpu.memory_space<vmem>>, vector<16xf32>,
      %get3A_331 = vector.shape_cast %get3A_330 : vector<16xf32> to vector<16xf32>
      %sub3A = arith.constant 9.99999997E-7 : f32
      %sub3A_332 = vector.broadcast %sub3A : f32 to vector<16xf32>
      %sub3A_333 = arith.subf %get3A_331, %sub3A_332 : vector<16xf32>
      %ge3A = arith.cmpf oge, %get3A_326, %sub3A_333 : vector<16xf32>
      %and3A = arith.andi %gt3A_328, %ge3A : vector<16xi1>
      %jit3A = arith.constant 1.000000e+00 : f32
      %jit3A_334 = arith.constant 0.000000e+00 : f32
      %broadcast_in_dim3A = vector.broadcast %jit3A : f32 to vector<16xf32>
      %broadcast_in_dim3A_335 = vector.broadcast %jit3A_334 : f32 to vector<16xf32>
      %select_n3A = arith.select %and3A, %broadcast_in_dim3A, %broadcast_in_dim3A_335 : vector<16xi1>, vector<16xf32>
      %get3A_336 = arith.index_cast %mul3A_321 : i32 to index
      %get3A_337 = tpu.vector_load %arg11[%get3A_336] {strides = array<i32>} : memref<1568xf32, #tpu.memory_space<vmem>>, vector<16xf32>,
      %get3A_338 = vector.shape_cast %get3A_337 : vector<16xf32> to vector<16xf32>
      %mul3A_339 = arith.mulf %get3A_338, %select_n3A : vector<16xf32>
      %swap3A = arith.index_cast %mul3A_321 : i32 to index
      %swap3A_340 = tpu.vector_load %arg15[%swap3A] {strides = array<i32>} : memref<1568xf32, #tpu.memory_space<vmem>>, vector<16xf32>,
      %swap3A_341 = vector.shape_cast %swap3A_340 : vector<16xf32> to vector<16xf32>
      %swap3A_342 = vector.shape_cast %mul3A_339 : vector<16xf32> to vector<16xf32>
      tpu.vector_store %arg15[%swap3A], %swap3A_342 {strides = array<i32>} : memref<1568xf32, #tpu.memory_space<vmem>>, vector<16xf32>,
      %get3A_343 = arith.index_cast %mul3A_321 : i32 to index
      %get3A_344 = tpu.vector_load %arg12[%get3A_343] {strides = array<i32>} : memref<1568xf32, #tpu.memory_space<vmem>>, vector<16xf32>,
      %get3A_345 = vector.shape_cast %get3A_344 : vector<16xf32> to vector<16xf32>
      %mul3A_346 = arith.mulf %get3A_345, %select_n3A : vector<16xf32>
      %swap3A_347 = arith.index_cast %mul3A_321 : i32 to index
      %swap3A_348 = tpu.vector_load %arg16[%swap3A_347] {strides = array<i32>} : memref<1568xf32, #tpu.memory_space<vmem>>, vector<16xf32>,
      %swap3A_349 = vector.shape_cast %swap3A_348 : vector<16xf32> to vector<16xf32>
      %swap3A_350 = vector.shape_cast %mul3A_346 : vector<16xf32> to vector<16xf32>
      tpu.vector_store %arg16[%swap3A_347], %swap3A_350 {strides = array<i32>} : memref<1568xf32, #tpu.memory_space<vmem>>, vector<16xf32>,
      %swap3A_351 = arith.index_cast %mul3A_321 : i32 to index
      %swap3A_352 = tpu.vector_load %arg17[%swap3A_351] {strides = array<i32>} : memref<1568xf32, #tpu.memory_space<vmem>>, vector<16xf32>,
      %swap3A_353 = vector.shape_cast %swap3A_352 : vector<16xf32> to vector<16xf32>
      %swap3A_354 = vector.shape_cast %select_n3A : vector<16xf32> to vector<16xf32>
      tpu.vector_store %arg17[%swap3A_351], %swap3A_354 {strides = array<i32>} : memref<1568xf32, #tpu.memory_space<vmem>>, vector<16xf32>,
      %add3A_355 = arith.constant 0 : i32
      %add3A_356 = vector.broadcast %add3A_355 : i32 to vector<16xi32>
      %add3A_357 = arith.addi %add3A_356, %get3A_323 : vector<16xi32>
      %swap3A_358 = arith.index_cast %mul3A_321 : i32 to index
      %swap3A_359 = tpu.vector_load %arg18[%swap3A_358] {strides = array<i32>} : memref<1568xi32, #tpu.memory_space<vmem>>, vector<16xi32>,
      %swap3A_360 = vector.shape_cast %swap3A_359 : vector<16xi32> to vector<16xi32>
      %swap3A_361 = vector.shape_cast %add3A_357 : vector<16xi32> to vector<16xi32>
      tpu.vector_store %arg18[%swap3A_358], %swap3A_361 {strides = array<i32>} : memref<1568xi32, #tpu.memory_space<vmem>>, vector<16xi32>,
      %add3A_362 = arith.constant 262144 : i32
      %add3A_363 = vector.broadcast %add3A_362 : i32 to vector<16xi32>
      %add3A_364 = arith.addi %add3A_357, %add3A_363 : vector<16xi32>
      %swap3A_365 = arith.index_cast %mul3A_321 : i32 to index
      %swap3A_366 = tpu.vector_load %arg19[%swap3A_365] {strides = array<i32>} : memref<1568xi32, #tpu.memory_space<vmem>>, vector<16xi32>,
      %swap3A_367 = vector.shape_cast %swap3A_366 : vector<16xi32> to vector<16xi32>
      %swap3A_368 = vector.shape_cast %add3A_364 : vector<16xi32> to vector<16xi32>
      tpu.vector_store %arg19[%swap3A_365], %swap3A_368 {strides = array<i32>} : memref<1568xi32, #tpu.memory_space<vmem>>, vector<16xi32>,
      %add3A_369 = arith.constant 524288 : i32
      %add3A_370 = vector.broadcast %add3A_369 : i32 to vector<16xi32>
      %add3A_371 = arith.addi %add3A_357, %add3A_370 : vector<16xi32>
      %swap3A_372 = arith.index_cast %mul3A_321 : i32 to index
      %swap3A_373 = tpu.vector_load %arg20[%swap3A_372] {strides = array<i32>} : memref<1568xi32, #tpu.memory_space<vmem>>, vector<16xi32>,
      %swap3A_374 = vector.shape_cast %swap3A_373 : vector<16xi32> to vector<16xi32>
      %swap3A_375 = vector.shape_cast %add3A_371 : vector<16xi32> to vector<16xi32>
      tpu.vector_store %arg20[%swap3A_372], %swap3A_375 {strides = array<i32>} : memref<1568xi32, #tpu.memory_space<vmem>>, vector<16xi32>,
    }
    %scan3A_168 = arith.constant 98 : i32
    "tpu.region"() ({
      %run_scoped3A = tpu.sem_alloc : memref<!tpu.dma_semaphore, #tpu.memory_space<semaphore_mem>>
      %dma_start3A_319 = arith.constant 0 : i32
      %dma_start3A_320 = tpu.memref_slice %arg8[%dma_start3A_319] : memref<1572864xf32, #tpu.memory_space<vmem_shared>> -> memref<1572864xf32, #tpu.memory_space<vmem_shared>>
      tpu.enqueue_indirect_dma source(%arg15 : memref<1568xf32, #tpu.memory_space<vmem>>) target(%dma_start3A_320 : memref<1572864xf32, #tpu.memory_space<vmem_shared>>) offsets(%arg18 : memref<1568xi32, #tpu.memory_space<vmem>>) semaphore(%run_scoped3A : memref<!tpu.dma_semaphore, #tpu.memory_space<semaphore_mem>>) {add = true}
      %dma_wait3A_321 = arith.constant 0 : i32
      %dma_wait3A_322 = tpu.memref_slice %arg8[%dma_wait3A_321] : memref<1572864xf32, #tpu.memory_space<vmem_shared>> -> memref<1572864xf32, #tpu.memory_space<vmem_shared>>
      tpu.wait_indirect_dma semaphore(%run_scoped3A : memref<!tpu.dma_semaphore, #tpu.memory_space<semaphore_mem>>) src(%arg15 : memref<1568xf32, #tpu.memory_space<vmem>>) dst(%dma_wait3A_322 : memref<1572864xf32, #tpu.memory_space<vmem_shared>>)
      tpu.yield
    }) : () -> ()
    "tpu.region"() ({
      %run_scoped3A = tpu.sem_alloc : memref<!tpu.dma_semaphore, #tpu.memory_space<semaphore_mem>>
      %dma_start3A_319 = arith.constant 0 : i32
      %dma_start3A_320 = tpu.memref_slice %arg8[%dma_start3A_319] : memref<1572864xf32, #tpu.memory_space<vmem_shared>> -> memref<1572864xf32, #tpu.memory_space<vmem_shared>>
      tpu.enqueue_indirect_dma source(%arg16 : memref<1568xf32, #tpu.memory_space<vmem>>) target(%dma_start3A_320 : memref<1572864xf32, #tpu.memory_space<vmem_shared>>) offsets(%arg19 : memref<1568xi32, #tpu.memory_space<vmem>>) semaphore(%run_scoped3A : memref<!tpu.dma_semaphore, #tpu.memory_space<semaphore_mem>>) {add = true}
      %dma_wait3A_321 = arith.constant 0 : i32
      %dma_wait3A_322 = tpu.memref_slice %arg8[%dma_wait3A_321] : memref<1572864xf32, #tpu.memory_space<vmem_shared>> -> memref<1572864xf32, #tpu.memory_space<vmem_shared>>
      tpu.wait_indirect_dma semaphore(%run_scoped3A : memref<!tpu.dma_semaphore, #tpu.memory_space<semaphore_mem>>) src(%arg16 : memref<1568xf32, #tpu.memory_space<vmem>>) dst(%dma_wait3A_322 : memref<1572864xf32, #tpu.memory_space<vmem_shared>>)
      tpu.yield
    }) : () -> ()
    "tpu.region"() ({
      %run_scoped3A = tpu.sem_alloc : memref<!tpu.dma_semaphore, #tpu.memory_space<semaphore_mem>>
      %dma_start3A_319 = arith.constant 0 : i32
      %dma_start3A_320 = tpu.memref_slice %arg8[%dma_start3A_319] : memref<1572864xf32, #tpu.memory_space<vmem_shared>> -> memref<1572864xf32, #tpu.memory_space<vmem_shared>>
      tpu.enqueue_indirect_dma source(%arg17 : memref<1568xf32, #tpu.memory_space<vmem>>) target(%dma_start3A_320 : memref<1572864xf32, #tpu.memory_space<vmem_shared>>) offsets(%arg20 : memref<1568xi32, #tpu.memory_space<vmem>>) semaphore(%run_scoped3A : memref<!tpu.dma_semaphore, #tpu.memory_space<semaphore_mem>>) {add = true}
      %dma_wait3A_321 = arith.constant 0 : i32
      %dma_wait3A_322 = tpu.memref_slice %arg8[%dma_wait3A_321] : memref<1572864xf32, #tpu.memory_space<vmem_shared>> -> memref<1572864xf32, #tpu.memory_space<vmem_shared>>
      tpu.wait_indirect_dma semaphore(%run_scoped3A : memref<!tpu.dma_semaphore, #tpu.memory_space<semaphore_mem>>) src(%arg17 : memref<1568xf32, #tpu.memory_space<vmem>>) dst(%dma_wait3A_322 : memref<1572864xf32, #tpu.memory_space<vmem_shared>>)
      tpu.yield
    }) : () -> ()
    %mul3A_169 = arith.constant 50176 : i32
    %mul3A_170 = arith.muli %add3A_147, %mul3A_169 : i32
    %mul3A_171 = arith.constant 2 : i32
    %mul3A_172 = arith.muli %arg1, %mul3A_171 : i32
    %add3A_173 = arith.constant 1 : i32
    %add3A_174 = arith.addi %mul3A_172, %add3A_173 : i32
    %mul3A_175 = arith.constant 1568 : i32
    %mul3A_176 = arith.muli %add3A_174, %mul3A_175 : i32
    %add3A_177 = arith.addi %mul3A_170, %mul3A_176 : i32
    "tpu.region"() ({
      %run_scoped3A = tpu.sem_alloc : memref<!tpu.dma_semaphore, #tpu.memory_space<semaphore_mem>>
      %dma_start3A_319 = tpu.memref_slice %arg2[%add3A_177] : memref<200704xi32, #tpu.memory_space<hbm>> -> memref<1568xi32, #tpu.memory_space<hbm>>
      %dma_start3A_320 = tpu.memref_slice %arg2[%add3A_177] : memref<200704xi32, #tpu.memory_space<hbm>> -> memref<1568xi32, #tpu.memory_space<hbm>>
      tpu.enqueue_dma source(%dma_start3A_320 : memref<1568xi32, #tpu.memory_space<hbm>>) target(%arg9 : memref<1568xi32, #tpu.memory_space<vmem>>) target_semaphore(%run_scoped3A : memref<!tpu.dma_semaphore, #tpu.memory_space<semaphore_mem>>)
      %dma_wait3A_321 = tpu.memref_slice %arg2[%add3A_177] : memref<200704xi32, #tpu.memory_space<hbm>> -> memref<1568xi32, #tpu.memory_space<hbm>>
      %dma_wait3A_322 = tpu.memref_slice %arg2[%add3A_177] : memref<200704xi32, #tpu.memory_space<hbm>> -> memref<1568xi32, #tpu.memory_space<hbm>>
      tpu.wait_dma2 semaphore(%run_scoped3A : memref<!tpu.dma_semaphore, #tpu.memory_space<semaphore_mem>>) src(%dma_wait3A_322 : memref<1568xi32, #tpu.memory_space<hbm>>) dst(%arg9 : memref<1568xi32, #tpu.memory_space<vmem>>)
      tpu.yield
    }) : () -> ()
    "tpu.region"() ({
      %run_scoped3A = tpu.sem_alloc : memref<!tpu.dma_semaphore, #tpu.memory_space<semaphore_mem>>
      %dma_start3A_319 = tpu.memref_slice %arg3[%add3A_177] : memref<200704xf32, #tpu.memory_space<hbm>> -> memref<1568xf32, #tpu.memory_space<hbm>>
      %dma_start3A_320 = tpu.memref_slice %arg3[%add3A_177] : memref<200704xf32, #tpu.memory_space<hbm>> -> memref<1568xf32, #tpu.memory_space<hbm>>
      tpu.enqueue_dma source(%dma_start3A_320 : memref<1568xf32, #tpu.memory_space<hbm>>) target(%arg10 : memref<1568xf32, #tpu.memory_space<vmem>>) target_semaphore(%run_scoped3A : memref<!tpu.dma_semaphore, #tpu.memory_space<semaphore_mem>>)
      %dma_wait3A_321 = tpu.memref_slice %arg3[%add3A_177] : memref<200704xf32, #tpu.memory_space<hbm>> -> memref<1568xf32, #tpu.memory_space<hbm>>
      %dma_wait3A_322 = tpu.memref_slice %arg3[%add3A_177] : memref<200704xf32, #tpu.memory_space<hbm>> -> memref<1568xf32, #tpu.memory_space<hbm>>
      tpu.wait_dma2 semaphore(%run_scoped3A : memref<!tpu.dma_semaphore, #tpu.memory_space<semaphore_mem>>) src(%dma_wait3A_322 : memref<1568xf32, #tpu.memory_space<hbm>>) dst(%arg10 : memref<1568xf32, #tpu.memory_space<vmem>>)
      tpu.yield
    }) : () -> ()
    "tpu.region"() ({
      %run_scoped3A = tpu.sem_alloc : memref<!tpu.dma_semaphore, #tpu.memory_space<semaphore_mem>>
      %dma_start3A_319 = tpu.memref_slice %arg4[%add3A_177] : memref<200704xf32, #tpu.memory_space<hbm>> -> memref<1568xf32, #tpu.memory_space<hbm>>
      %dma_start3A_320 = tpu.memref_slice %arg4[%add3A_177] : memref<200704xf32, #tpu.memory_space<hbm>> -> memref<1568xf32, #tpu.memory_space<hbm>>
      tpu.enqueue_dma source(%dma_start3A_320 : memref<1568xf32, #tpu.memory_space<hbm>>) target(%arg11 : memref<1568xf32, #tpu.memory_space<vmem>>) target_semaphore(%run_scoped3A : memref<!tpu.dma_semaphore, #tpu.memory_space<semaphore_mem>>)
      %dma_wait3A_321 = tpu.memref_slice %arg4[%add3A_177] : memref<200704xf32, #tpu.memory_space<hbm>> -> memref<1568xf32, #tpu.memory_space<hbm>>
      %dma_wait3A_322 = tpu.memref_slice %arg4[%add3A_177] : memref<200704xf32, #tpu.memory_space<hbm>> -> memref<1568xf32, #tpu.memory_space<hbm>>
      tpu.wait_dma2 semaphore(%run_scoped3A : memref<!tpu.dma_semaphore, #tpu.memory_space<semaphore_mem>>) src(%dma_wait3A_322 : memref<1568xf32, #tpu.memory_space<hbm>>) dst(%arg11 : memref<1568xf32, #tpu.memory_space<vmem>>)
      tpu.yield
    }) : () -> ()
    "tpu.region"() ({
      %run_scoped3A = tpu.sem_alloc : memref<!tpu.dma_semaphore, #tpu.memory_space<semaphore_mem>>
      %dma_start3A_319 = tpu.memref_slice %arg5[%add3A_177] : memref<200704xf32, #tpu.memory_space<hbm>> -> memref<1568xf32, #tpu.memory_space<hbm>>
      %dma_start3A_320 = tpu.memref_slice %arg5[%add3A_177] : memref<200704xf32, #tpu.memory_space<hbm>> -> memref<1568xf32, #tpu.memory_space<hbm>>
      tpu.enqueue_dma source(%dma_start3A_320 : memref<1568xf32, #tpu.memory_space<hbm>>) target(%arg12 : memref<1568xf32, #tpu.memory_space<vmem>>) target_semaphore(%run_scoped3A : memref<!tpu.dma_semaphore, #tpu.memory_space<semaphore_mem>>)
      %dma_wait3A_321 = tpu.memref_slice %arg5[%add3A_177] : memref<200704xf32, #tpu.memory_space<hbm>> -> memref<1568xf32, #tpu.memory_space<hbm>>
      %dma_wait3A_322 = tpu.memref_slice %arg5[%add3A_177] : memref<200704xf32, #tpu.memory_space<hbm>> -> memref<1568xf32, #tpu.memory_space<hbm>>
      tpu.wait_dma2 semaphore(%run_scoped3A : memref<!tpu.dma_semaphore, #tpu.memory_space<semaphore_mem>>) src(%dma_wait3A_322 : memref<1568xf32, #tpu.memory_space<hbm>>) dst(%arg12 : memref<1568xf32, #tpu.memory_space<vmem>>)
      tpu.yield
    }) : () -> ()
    %scan3A_178 = arith.constant 0 : i32
    %scan3A_179 = arith.constant 98 : i32
    %scan3A_180 = arith.addi %scan3A_178, %scan3A_179 : i32
    %scan3A_181 = arith.constant 1 : i32
    scf.for %scan3A_319 = %scan3A_178 to %scan3A_180 step %scan3A_181  : i32 {
      %mul3A_320 = arith.constant 16 : i32
      %mul3A_321 = arith.muli %scan3A_319, %mul3A_320 : i32
      %mul3A_322 = arith.constant 262144 : i32
      %mul3A_323 = arith.muli %add3A_147, %mul3A_322 : i32
      %get3A = arith.index_cast %mul3A_321 : i32 to index
      %get3A_324 = tpu.vector_load %arg9[%get3A] {strides = array<i32>} : memref<1568xi32, #tpu.memory_space<vmem>>, vector<16xi32>,
      %get3A_325 = vector.shape_cast %get3A_324 : vector<16xi32> to vector<16xi32>
      %add3A_326 = vector.broadcast %mul3A_323 : i32 to vector<16xi32>
      %add3A_327 = arith.addi %add3A_326, %get3A_325 : vector<16xi32>
      %swap3A = arith.index_cast %mul3A_321 : i32 to index
      %swap3A_328 = tpu.vector_load %arg13[%swap3A] {strides = array<i32>} : memref<1568xi32, #tpu.memory_space<vmem>>, vector<16xi32>,
      %swap3A_329 = vector.shape_cast %swap3A_328 : vector<16xi32> to vector<16xi32>
      %swap3A_330 = vector.shape_cast %add3A_327 : vector<16xi32> to vector<16xi32>
      tpu.vector_store %arg13[%swap3A], %swap3A_330 {strides = array<i32>} : memref<1568xi32, #tpu.memory_space<vmem>>, vector<16xi32>,
    }
    %scan3A_182 = arith.constant 98 : i32
    %dma_start3A_183 = arith.constant 0 : i32
    %dma_start3A_184 = tpu.memref_slice %arg6[%dma_start3A_183] : memref<1048576xf32, #tpu.memory_space<hbm>> -> memref<1048576xf32, #tpu.memory_space<hbm>>
    tpu.enqueue_indirect_dma source(%dma_start3A_184 : memref<1048576xf32, #tpu.memory_space<hbm>>) target(%arg14 : memref<1568xf32, #tpu.memory_space<vmem>>) offsets(%arg13 : memref<1568xi32, #tpu.memory_space<vmem>>) semaphore(%arg22 : memref<!tpu.dma_semaphore, #tpu.memory_space<semaphore_mem>>)
    %dma_wait3A_185 = arith.constant 0 : i32
    %dma_wait3A_186 = tpu.memref_slice %arg6[%dma_wait3A_185] : memref<1048576xf32, #tpu.memory_space<hbm>> -> memref<1048576xf32, #tpu.memory_space<hbm>>
    tpu.wait_indirect_dma semaphore(%arg22 : memref<!tpu.dma_semaphore, #tpu.memory_space<semaphore_mem>>) src(%dma_wait3A_186 : memref<1048576xf32, #tpu.memory_space<hbm>>) dst(%arg14 : memref<1568xf32, #tpu.memory_space<vmem>>)
    %scan3A_187 = arith.constant 0 : i32
    %scan3A_188 = arith.constant 98 : i32
    %scan3A_189 = arith.addi %scan3A_187, %scan3A_188 : i32
    %scan3A_190 = arith.constant 1 : i32
    scf.for %scan3A_319 = %scan3A_187 to %scan3A_189 step %scan3A_190  : i32 {
      %mul3A_320 = arith.constant 16 : i32
      %mul3A_321 = arith.muli %scan3A_319, %mul3A_320 : i32
      %get3A = arith.index_cast %mul3A_321 : i32 to index
      %get3A_322 = tpu.vector_load %arg9[%get3A] {strides = array<i32>} : memref<1568xi32, #tpu.memory_space<vmem>>, vector<16xi32>,
      %get3A_323 = vector.shape_cast %get3A_322 : vector<16xi32> to vector<16xi32>
      %get3A_324 = arith.index_cast %mul3A_321 : i32 to index
      %get3A_325 = tpu.vector_load %arg10[%get3A_324] {strides = array<i32>} : memref<1568xf32, #tpu.memory_space<vmem>>, vector<16xf32>,
      %get3A_326 = vector.shape_cast %get3A_325 : vector<16xf32> to vector<16xf32>
      %gt3A = arith.constant 0xFF800000 : f32
      %gt3A_327 = vector.broadcast %gt3A : f32 to vector<16xf32>
      %gt3A_328 = arith.cmpf ogt, %get3A_326, %gt3A_327 : vector<16xf32>
      %get3A_329 = arith.index_cast %mul3A_321 : i32 to index
      %get3A_330 = tpu.vector_load %arg14[%get3A_329] {strides = array<i32>} : memref<1568xf32, #tpu.memory_space<vmem>>, vector<16xf32>,
      %get3A_331 = vector.shape_cast %get3A_330 : vector<16xf32> to vector<16xf32>
      %sub3A = arith.constant 9.99999997E-7 : f32
      %sub3A_332 = vector.broadcast %sub3A : f32 to vector<16xf32>
      %sub3A_333 = arith.subf %get3A_331, %sub3A_332 : vector<16xf32>
      %ge3A = arith.cmpf oge, %get3A_326, %sub3A_333 : vector<16xf32>
      %and3A = arith.andi %gt3A_328, %ge3A : vector<16xi1>
      %jit3A = arith.constant 1.000000e+00 : f32
      %jit3A_334 = arith.constant 0.000000e+00 : f32
      %broadcast_in_dim3A = vector.broadcast %jit3A : f32 to vector<16xf32>
      %broadcast_in_dim3A_335 = vector.broadcast %jit3A_334 : f32 to vector<16xf32>
      %select_n3A = arith.select %and3A, %broadcast_in_dim3A, %broadcast_in_dim3A_335 : vector<16xi1>, vector<16xf32>
      %get3A_336 = arith.index_cast %mul3A_321 : i32 to index
      %get3A_337 = tpu.vector_load %arg11[%get3A_336] {strides = array<i32>} : memref<1568xf32, #tpu.memory_space<vmem>>, vector<16xf32>,
      %get3A_338 = vector.shape_cast %get3A_337 : vector<16xf32> to vector<16xf32>
      %mul3A_339 = arith.mulf %get3A_338, %select_n3A : vector<16xf32>
      %swap3A = arith.index_cast %mul3A_321 : i32 to index
      %swap3A_340 = tpu.vector_load %arg15[%swap3A] {strides = array<i32>} : memref<1568xf32, #tpu.memory_space<vmem>>, vector<16xf32>,
      %swap3A_341 = vector.shape_cast %swap3A_340 : vector<16xf32> to vector<16xf32>
      %swap3A_342 = vector.shape_cast %mul3A_339 : vector<16xf32> to vector<16xf32>
      tpu.vector_store %arg15[%swap3A], %swap3A_342 {strides = array<i32>} : memref<1568xf32, #tpu.memory_space<vmem>>, vector<16xf32>,
      %get3A_343 = arith.index_cast %mul3A_321 : i32 to index
      %get3A_344 = tpu.vector_load %arg12[%get3A_343] {strides = array<i32>} : memref<1568xf32, #tpu.memory_space<vmem>>, vector<16xf32>,
      %get3A_345 = vector.shape_cast %get3A_344 : vector<16xf32> to vector<16xf32>
      %mul3A_346 = arith.mulf %get3A_345, %select_n3A : vector<16xf32>
      %swap3A_347 = arith.index_cast %mul3A_321 : i32 to index
      %swap3A_348 = tpu.vector_load %arg16[%swap3A_347] {strides = array<i32>} : memref<1568xf32, #tpu.memory_space<vmem>>, vector<16xf32>,
      %swap3A_349 = vector.shape_cast %swap3A_348 : vector<16xf32> to vector<16xf32>
      %swap3A_350 = vector.shape_cast %mul3A_346 : vector<16xf32> to vector<16xf32>
      tpu.vector_store %arg16[%swap3A_347], %swap3A_350 {strides = array<i32>} : memref<1568xf32, #tpu.memory_space<vmem>>, vector<16xf32>,
      %swap3A_351 = arith.index_cast %mul3A_321 : i32 to index
      %swap3A_352 = tpu.vector_load %arg17[%swap3A_351] {strides = array<i32>} : memref<1568xf32, #tpu.memory_space<vmem>>, vector<16xf32>,
      %swap3A_353 = vector.shape_cast %swap3A_352 : vector<16xf32> to vector<16xf32>
      %swap3A_354 = vector.shape_cast %select_n3A : vector<16xf32> to vector<16xf32>
      tpu.vector_store %arg17[%swap3A_351], %swap3A_354 {strides = array<i32>} : memref<1568xf32, #tpu.memory_space<vmem>>, vector<16xf32>,
      %add3A_355 = arith.constant 0 : i32
      %add3A_356 = vector.broadcast %add3A_355 : i32 to vector<16xi32>
      %add3A_357 = arith.addi %add3A_356, %get3A_323 : vector<16xi32>
      %swap3A_358 = arith.index_cast %mul3A_321 : i32 to index
      %swap3A_359 = tpu.vector_load %arg18[%swap3A_358] {strides = array<i32>} : memref<1568xi32, #tpu.memory_space<vmem>>, vector<16xi32>,
      %swap3A_360 = vector.shape_cast %swap3A_359 : vector<16xi32> to vector<16xi32>
      %swap3A_361 = vector.shape_cast %add3A_357 : vector<16xi32> to vector<16xi32>
      tpu.vector_store %arg18[%swap3A_358], %swap3A_361 {strides = array<i32>} : memref<1568xi32, #tpu.memory_space<vmem>>, vector<16xi32>,
      %add3A_362 = arith.constant 262144 : i32
      %add3A_363 = vector.broadcast %add3A_362 : i32 to vector<16xi32>
      %add3A_364 = arith.addi %add3A_357, %add3A_363 : vector<16xi32>
      %swap3A_365 = arith.index_cast %mul3A_321 : i32 to index
      %swap3A_366 = tpu.vector_load %arg19[%swap3A_365] {strides = array<i32>} : memref<1568xi32, #tpu.memory_space<vmem>>, vector<16xi32>,
      %swap3A_367 = vector.shape_cast %swap3A_366 : vector<16xi32> to vector<16xi32>
      %swap3A_368 = vector.shape_cast %add3A_364 : vector<16xi32> to vector<16xi32>
      tpu.vector_store %arg19[%swap3A_365], %swap3A_368 {strides = array<i32>} : memref<1568xi32, #tpu.memory_space<vmem>>, vector<16xi32>,
      %add3A_369 = arith.constant 524288 : i32
      %add3A_370 = vector.broadcast %add3A_369 : i32 to vector<16xi32>
      %add3A_371 = arith.addi %add3A_357, %add3A_370 : vector<16xi32>
      %swap3A_372 = arith.index_cast %mul3A_321 : i32 to index
      %swap3A_373 = tpu.vector_load %arg20[%swap3A_372] {strides = array<i32>} : memref<1568xi32, #tpu.memory_space<vmem>>, vector<16xi32>,
      %swap3A_374 = vector.shape_cast %swap3A_373 : vector<16xi32> to vector<16xi32>
      %swap3A_375 = vector.shape_cast %add3A_371 : vector<16xi32> to vector<16xi32>
      tpu.vector_store %arg20[%swap3A_372], %swap3A_375 {strides = array<i32>} : memref<1568xi32, #tpu.memory_space<vmem>>, vector<16xi32>,
    }
    %scan3A_191 = arith.constant 98 : i32
    "tpu.region"() ({
      %run_scoped3A = tpu.sem_alloc : memref<!tpu.dma_semaphore, #tpu.memory_space<semaphore_mem>>
      %dma_start3A_319 = arith.constant 0 : i32
      %dma_start3A_320 = tpu.memref_slice %arg8[%dma_start3A_319] : memref<1572864xf32, #tpu.memory_space<vmem_shared>> -> memref<1572864xf32, #tpu.memory_space<vmem_shared>>
      tpu.enqueue_indirect_dma source(%arg15 : memref<1568xf32, #tpu.memory_space<vmem>>) target(%dma_start3A_320 : memref<1572864xf32, #tpu.memory_space<vmem_shared>>) offsets(%arg18 : memref<1568xi32, #tpu.memory_space<vmem>>) semaphore(%run_scoped3A : memref<!tpu.dma_semaphore, #tpu.memory_space<semaphore_mem>>) {add = true}
      %dma_wait3A_321 = arith.constant 0 : i32
      %dma_wait3A_322 = tpu.memref_slice %arg8[%dma_wait3A_321] : memref<1572864xf32, #tpu.memory_space<vmem_shared>> -> memref<1572864xf32, #tpu.memory_space<vmem_shared>>
      tpu.wait_indirect_dma semaphore(%run_scoped3A : memref<!tpu.dma_semaphore, #tpu.memory_space<semaphore_mem>>) src(%arg15 : memref<1568xf32, #tpu.memory_space<vmem>>) dst(%dma_wait3A_322 : memref<1572864xf32, #tpu.memory_space<vmem_shared>>)
      tpu.yield
    }) : () -> ()
    "tpu.region"() ({
      %run_scoped3A = tpu.sem_alloc : memref<!tpu.dma_semaphore, #tpu.memory_space<semaphore_mem>>
      %dma_start3A_319 = arith.constant 0 : i32
      %dma_start3A_320 = tpu.memref_slice %arg8[%dma_start3A_319] : memref<1572864xf32, #tpu.memory_space<vmem_shared>> -> memref<1572864xf32, #tpu.memory_space<vmem_shared>>
      tpu.enqueue_indirect_dma source(%arg16 : memref<1568xf32, #tpu.memory_space<vmem>>) target(%dma_start3A_320 : memref<1572864xf32, #tpu.memory_space<vmem_shared>>) offsets(%arg19 : memref<1568xi32, #tpu.memory_space<vmem>>) semaphore(%run_scoped3A : memref<!tpu.dma_semaphore, #tpu.memory_space<semaphore_mem>>) {add = true}
      %dma_wait3A_321 = arith.constant 0 : i32
      %dma_wait3A_322 = tpu.memref_slice %arg8[%dma_wait3A_321] : memref<1572864xf32, #tpu.memory_space<vmem_shared>> -> memref<1572864xf32, #tpu.memory_space<vmem_shared>>
      tpu.wait_indirect_dma semaphore(%run_scoped3A : memref<!tpu.dma_semaphore, #tpu.memory_space<semaphore_mem>>) src(%arg16 : memref<1568xf32, #tpu.memory_space<vmem>>) dst(%dma_wait3A_322 : memref<1572864xf32, #tpu.memory_space<vmem_shared>>)
      tpu.yield
    }) : () -> ()
    "tpu.region"() ({
      %run_scoped3A = tpu.sem_alloc : memref<!tpu.dma_semaphore, #tpu.memory_space<semaphore_mem>>
      %dma_start3A_319 = arith.constant 0 : i32
      %dma_start3A_320 = tpu.memref_slice %arg8[%dma_start3A_319] : memref<1572864xf32, #tpu.memory_space<vmem_shared>> -> memref<1572864xf32, #tpu.memory_space<vmem_shared>>
      tpu.enqueue_indirect_dma source(%arg17 : memref<1568xf32, #tpu.memory_space<vmem>>) target(%dma_start3A_320 : memref<1572864xf32, #tpu.memory_space<vmem_shared>>) offsets(%arg20 : memref<1568xi32, #tpu.memory_space<vmem>>) semaphore(%run_scoped3A : memref<!tpu.dma_semaphore, #tpu.memory_space<semaphore_mem>>) {add = true}
      %dma_wait3A_321 = arith.constant 0 : i32
      %dma_wait3A_322 = tpu.memref_slice %arg8[%dma_wait3A_321] : memref<1572864xf32, #tpu.memory_space<vmem_shared>> -> memref<1572864xf32, #tpu.memory_space<vmem_shared>>
      tpu.wait_indirect_dma semaphore(%run_scoped3A : memref<!tpu.dma_semaphore, #tpu.memory_space<semaphore_mem>>) src(%arg17 : memref<1568xf32, #tpu.memory_space<vmem>>) dst(%dma_wait3A_322 : memref<1572864xf32, #tpu.memory_space<vmem_shared>>)
      tpu.yield
    }) : () -> ()
    %add3A_192 = arith.constant 2 : i32
    %add3A_193 = arith.addi %add3A_192, %arg0 : i32
    %mul3A_194 = arith.constant 50176 : i32
    %mul3A_195 = arith.muli %add3A_193, %mul3A_194 : i32
    %mul3A_196 = arith.constant 2 : i32
    %mul3A_197 = arith.muli %arg1, %mul3A_196 : i32
    %add3A_198 = arith.constant 0 : i32
    %add3A_199 = arith.addi %mul3A_197, %add3A_198 : i32
    %mul3A_200 = arith.constant 1568 : i32
    %mul3A_201 = arith.muli %add3A_199, %mul3A_200 : i32
    %add3A_202 = arith.addi %mul3A_195, %mul3A_201 : i32
    "tpu.region"() ({
      %run_scoped3A = tpu.sem_alloc : memref<!tpu.dma_semaphore, #tpu.memory_space<semaphore_mem>>
      %dma_start3A_319 = tpu.memref_slice %arg2[%add3A_202] : memref<200704xi32, #tpu.memory_space<hbm>> -> memref<1568xi32, #tpu.memory_space<hbm>>
      %dma_start3A_320 = tpu.memref_slice %arg2[%add3A_202] : memref<200704xi32, #tpu.memory_space<hbm>> -> memref<1568xi32, #tpu.memory_space<hbm>>
      tpu.enqueue_dma source(%dma_start3A_320 : memref<1568xi32, #tpu.memory_space<hbm>>) target(%arg9 : memref<1568xi32, #tpu.memory_space<vmem>>) target_semaphore(%run_scoped3A : memref<!tpu.dma_semaphore, #tpu.memory_space<semaphore_mem>>)
      %dma_wait3A_321 = tpu.memref_slice %arg2[%add3A_202] : memref<200704xi32, #tpu.memory_space<hbm>> -> memref<1568xi32, #tpu.memory_space<hbm>>
      %dma_wait3A_322 = tpu.memref_slice %arg2[%add3A_202] : memref<200704xi32, #tpu.memory_space<hbm>> -> memref<1568xi32, #tpu.memory_space<hbm>>
      tpu.wait_dma2 semaphore(%run_scoped3A : memref<!tpu.dma_semaphore, #tpu.memory_space<semaphore_mem>>) src(%dma_wait3A_322 : memref<1568xi32, #tpu.memory_space<hbm>>) dst(%arg9 : memref<1568xi32, #tpu.memory_space<vmem>>)
      tpu.yield
    }) : () -> ()
    "tpu.region"() ({
      %run_scoped3A = tpu.sem_alloc : memref<!tpu.dma_semaphore, #tpu.memory_space<semaphore_mem>>
      %dma_start3A_319 = tpu.memref_slice %arg3[%add3A_202] : memref<200704xf32, #tpu.memory_space<hbm>> -> memref<1568xf32, #tpu.memory_space<hbm>>
      %dma_start3A_320 = tpu.memref_slice %arg3[%add3A_202] : memref<200704xf32, #tpu.memory_space<hbm>> -> memref<1568xf32, #tpu.memory_space<hbm>>
      tpu.enqueue_dma source(%dma_start3A_320 : memref<1568xf32, #tpu.memory_space<hbm>>) target(%arg10 : memref<1568xf32, #tpu.memory_space<vmem>>) target_semaphore(%run_scoped3A : memref<!tpu.dma_semaphore, #tpu.memory_space<semaphore_mem>>)
      %dma_wait3A_321 = tpu.memref_slice %arg3[%add3A_202] : memref<200704xf32, #tpu.memory_space<hbm>> -> memref<1568xf32, #tpu.memory_space<hbm>>
      %dma_wait3A_322 = tpu.memref_slice %arg3[%add3A_202] : memref<200704xf32, #tpu.memory_space<hbm>> -> memref<1568xf32, #tpu.memory_space<hbm>>
      tpu.wait_dma2 semaphore(%run_scoped3A : memref<!tpu.dma_semaphore, #tpu.memory_space<semaphore_mem>>) src(%dma_wait3A_322 : memref<1568xf32, #tpu.memory_space<hbm>>) dst(%arg10 : memref<1568xf32, #tpu.memory_space<vmem>>)
      tpu.yield
    }) : () -> ()
    "tpu.region"() ({
      %run_scoped3A = tpu.sem_alloc : memref<!tpu.dma_semaphore, #tpu.memory_space<semaphore_mem>>
      %dma_start3A_319 = tpu.memref_slice %arg4[%add3A_202] : memref<200704xf32, #tpu.memory_space<hbm>> -> memref<1568xf32, #tpu.memory_space<hbm>>
      %dma_start3A_320 = tpu.memref_slice %arg4[%add3A_202] : memref<200704xf32, #tpu.memory_space<hbm>> -> memref<1568xf32, #tpu.memory_space<hbm>>
      tpu.enqueue_dma source(%dma_start3A_320 : memref<1568xf32, #tpu.memory_space<hbm>>) target(%arg11 : memref<1568xf32, #tpu.memory_space<vmem>>) target_semaphore(%run_scoped3A : memref<!tpu.dma_semaphore, #tpu.memory_space<semaphore_mem>>)
      %dma_wait3A_321 = tpu.memref_slice %arg4[%add3A_202] : memref<200704xf32, #tpu.memory_space<hbm>> -> memref<1568xf32, #tpu.memory_space<hbm>>
      %dma_wait3A_322 = tpu.memref_slice %arg4[%add3A_202] : memref<200704xf32, #tpu.memory_space<hbm>> -> memref<1568xf32, #tpu.memory_space<hbm>>
      tpu.wait_dma2 semaphore(%run_scoped3A : memref<!tpu.dma_semaphore, #tpu.memory_space<semaphore_mem>>) src(%dma_wait3A_322 : memref<1568xf32, #tpu.memory_space<hbm>>) dst(%arg11 : memref<1568xf32, #tpu.memory_space<vmem>>)
      tpu.yield
    }) : () -> ()
    "tpu.region"() ({
      %run_scoped3A = tpu.sem_alloc : memref<!tpu.dma_semaphore, #tpu.memory_space<semaphore_mem>>
      %dma_start3A_319 = tpu.memref_slice %arg5[%add3A_202] : memref<200704xf32, #tpu.memory_space<hbm>> -> memref<1568xf32, #tpu.memory_space<hbm>>
      %dma_start3A_320 = tpu.memref_slice %arg5[%add3A_202] : memref<200704xf32, #tpu.memory_space<hbm>> -> memref<1568xf32, #tpu.memory_space<hbm>>
      tpu.enqueue_dma source(%dma_start3A_320 : memref<1568xf32, #tpu.memory_space<hbm>>) target(%arg12 : memref<1568xf32, #tpu.memory_space<vmem>>) target_semaphore(%run_scoped3A : memref<!tpu.dma_semaphore, #tpu.memory_space<semaphore_mem>>)
      %dma_wait3A_321 = tpu.memref_slice %arg5[%add3A_202] : memref<200704xf32, #tpu.memory_space<hbm>> -> memref<1568xf32, #tpu.memory_space<hbm>>
      %dma_wait3A_322 = tpu.memref_slice %arg5[%add3A_202] : memref<200704xf32, #tpu.memory_space<hbm>> -> memref<1568xf32, #tpu.memory_space<hbm>>
      tpu.wait_dma2 semaphore(%run_scoped3A : memref<!tpu.dma_semaphore, #tpu.memory_space<semaphore_mem>>) src(%dma_wait3A_322 : memref<1568xf32, #tpu.memory_space<hbm>>) dst(%arg12 : memref<1568xf32, #tpu.memory_space<vmem>>)
      tpu.yield
    }) : () -> ()
    %scan3A_203 = arith.constant 0 : i32
    %scan3A_204 = arith.constant 98 : i32
    %scan3A_205 = arith.addi %scan3A_203, %scan3A_204 : i32
    %scan3A_206 = arith.constant 1 : i32
    scf.for %scan3A_319 = %scan3A_203 to %scan3A_205 step %scan3A_206  : i32 {
      %mul3A_320 = arith.constant 16 : i32
      %mul3A_321 = arith.muli %scan3A_319, %mul3A_320 : i32
      %mul3A_322 = arith.constant 262144 : i32
      %mul3A_323 = arith.muli %add3A_193, %mul3A_322 : i32
      %get3A = arith.index_cast %mul3A_321 : i32 to index
      %get3A_324 = tpu.vector_load %arg9[%get3A] {strides = array<i32>} : memref<1568xi32, #tpu.memory_space<vmem>>, vector<16xi32>,
      %get3A_325 = vector.shape_cast %get3A_324 : vector<16xi32> to vector<16xi32>
      %add3A_326 = vector.broadcast %mul3A_323 : i32 to vector<16xi32>
      %add3A_327 = arith.addi %add3A_326, %get3A_325 : vector<16xi32>
      %swap3A = arith.index_cast %mul3A_321 : i32 to index
      %swap3A_328 = tpu.vector_load %arg13[%swap3A] {strides = array<i32>} : memref<1568xi32, #tpu.memory_space<vmem>>, vector<16xi32>,
      %swap3A_329 = vector.shape_cast %swap3A_328 : vector<16xi32> to vector<16xi32>
      %swap3A_330 = vector.shape_cast %add3A_327 : vector<16xi32> to vector<16xi32>
      tpu.vector_store %arg13[%swap3A], %swap3A_330 {strides = array<i32>} : memref<1568xi32, #tpu.memory_space<vmem>>, vector<16xi32>,
    }
    %scan3A_207 = arith.constant 98 : i32
    %dma_start3A_208 = arith.constant 0 : i32
    %dma_start3A_209 = tpu.memref_slice %arg6[%dma_start3A_208] : memref<1048576xf32, #tpu.memory_space<hbm>> -> memref<1048576xf32, #tpu.memory_space<hbm>>
    tpu.enqueue_indirect_dma source(%dma_start3A_209 : memref<1048576xf32, #tpu.memory_space<hbm>>) target(%arg14 : memref<1568xf32, #tpu.memory_space<vmem>>) offsets(%arg13 : memref<1568xi32, #tpu.memory_space<vmem>>) semaphore(%arg22 : memref<!tpu.dma_semaphore, #tpu.memory_space<semaphore_mem>>)
    %dma_wait3A_210 = arith.constant 0 : i32
    %dma_wait3A_211 = tpu.memref_slice %arg6[%dma_wait3A_210] : memref<1048576xf32, #tpu.memory_space<hbm>> -> memref<1048576xf32, #tpu.memory_space<hbm>>
    tpu.wait_indirect_dma semaphore(%arg22 : memref<!tpu.dma_semaphore, #tpu.memory_space<semaphore_mem>>) src(%dma_wait3A_211 : memref<1048576xf32, #tpu.memory_space<hbm>>) dst(%arg14 : memref<1568xf32, #tpu.memory_space<vmem>>)
    %scan3A_212 = arith.constant 0 : i32
    %scan3A_213 = arith.constant 98 : i32
    %scan3A_214 = arith.addi %scan3A_212, %scan3A_213 : i32
    %scan3A_215 = arith.constant 1 : i32
    scf.for %scan3A_319 = %scan3A_212 to %scan3A_214 step %scan3A_215  : i32 {
      %mul3A_320 = arith.constant 16 : i32
      %mul3A_321 = arith.muli %scan3A_319, %mul3A_320 : i32
      %get3A = arith.index_cast %mul3A_321 : i32 to index
      %get3A_322 = tpu.vector_load %arg9[%get3A] {strides = array<i32>} : memref<1568xi32, #tpu.memory_space<vmem>>, vector<16xi32>,
      %get3A_323 = vector.shape_cast %get3A_322 : vector<16xi32> to vector<16xi32>
      %get3A_324 = arith.index_cast %mul3A_321 : i32 to index
      %get3A_325 = tpu.vector_load %arg10[%get3A_324] {strides = array<i32>} : memref<1568xf32, #tpu.memory_space<vmem>>, vector<16xf32>,
      %get3A_326 = vector.shape_cast %get3A_325 : vector<16xf32> to vector<16xf32>
      %gt3A = arith.constant 0xFF800000 : f32
      %gt3A_327 = vector.broadcast %gt3A : f32 to vector<16xf32>
      %gt3A_328 = arith.cmpf ogt, %get3A_326, %gt3A_327 : vector<16xf32>
      %get3A_329 = arith.index_cast %mul3A_321 : i32 to index
      %get3A_330 = tpu.vector_load %arg14[%get3A_329] {strides = array<i32>} : memref<1568xf32, #tpu.memory_space<vmem>>, vector<16xf32>,
      %get3A_331 = vector.shape_cast %get3A_330 : vector<16xf32> to vector<16xf32>
      %sub3A = arith.constant 9.99999997E-7 : f32
      %sub3A_332 = vector.broadcast %sub3A : f32 to vector<16xf32>
      %sub3A_333 = arith.subf %get3A_331, %sub3A_332 : vector<16xf32>
      %ge3A = arith.cmpf oge, %get3A_326, %sub3A_333 : vector<16xf32>
      %and3A = arith.andi %gt3A_328, %ge3A : vector<16xi1>
      %jit3A = arith.constant 1.000000e+00 : f32
      %jit3A_334 = arith.constant 0.000000e+00 : f32
      %broadcast_in_dim3A = vector.broadcast %jit3A : f32 to vector<16xf32>
      %broadcast_in_dim3A_335 = vector.broadcast %jit3A_334 : f32 to vector<16xf32>
      %select_n3A = arith.select %and3A, %broadcast_in_dim3A, %broadcast_in_dim3A_335 : vector<16xi1>, vector<16xf32>
      %get3A_336 = arith.index_cast %mul3A_321 : i32 to index
      %get3A_337 = tpu.vector_load %arg11[%get3A_336] {strides = array<i32>} : memref<1568xf32, #tpu.memory_space<vmem>>, vector<16xf32>,
      %get3A_338 = vector.shape_cast %get3A_337 : vector<16xf32> to vector<16xf32>
      %mul3A_339 = arith.mulf %get3A_338, %select_n3A : vector<16xf32>
      %swap3A = arith.index_cast %mul3A_321 : i32 to index
      %swap3A_340 = tpu.vector_load %arg15[%swap3A] {strides = array<i32>} : memref<1568xf32, #tpu.memory_space<vmem>>, vector<16xf32>,
      %swap3A_341 = vector.shape_cast %swap3A_340 : vector<16xf32> to vector<16xf32>
      %swap3A_342 = vector.shape_cast %mul3A_339 : vector<16xf32> to vector<16xf32>
      tpu.vector_store %arg15[%swap3A], %swap3A_342 {strides = array<i32>} : memref<1568xf32, #tpu.memory_space<vmem>>, vector<16xf32>,
      %get3A_343 = arith.index_cast %mul3A_321 : i32 to index
      %get3A_344 = tpu.vector_load %arg12[%get3A_343] {strides = array<i32>} : memref<1568xf32, #tpu.memory_space<vmem>>, vector<16xf32>,
      %get3A_345 = vector.shape_cast %get3A_344 : vector<16xf32> to vector<16xf32>
      %mul3A_346 = arith.mulf %get3A_345, %select_n3A : vector<16xf32>
      %swap3A_347 = arith.index_cast %mul3A_321 : i32 to index
      %swap3A_348 = tpu.vector_load %arg16[%swap3A_347] {strides = array<i32>} : memref<1568xf32, #tpu.memory_space<vmem>>, vector<16xf32>,
      %swap3A_349 = vector.shape_cast %swap3A_348 : vector<16xf32> to vector<16xf32>
      %swap3A_350 = vector.shape_cast %mul3A_346 : vector<16xf32> to vector<16xf32>
      tpu.vector_store %arg16[%swap3A_347], %swap3A_350 {strides = array<i32>} : memref<1568xf32, #tpu.memory_space<vmem>>, vector<16xf32>,
      %swap3A_351 = arith.index_cast %mul3A_321 : i32 to index
      %swap3A_352 = tpu.vector_load %arg17[%swap3A_351] {strides = array<i32>} : memref<1568xf32, #tpu.memory_space<vmem>>, vector<16xf32>,
      %swap3A_353 = vector.shape_cast %swap3A_352 : vector<16xf32> to vector<16xf32>
      %swap3A_354 = vector.shape_cast %select_n3A : vector<16xf32> to vector<16xf32>
      tpu.vector_store %arg17[%swap3A_351], %swap3A_354 {strides = array<i32>} : memref<1568xf32, #tpu.memory_space<vmem>>, vector<16xf32>,
      %add3A_355 = arith.constant 786432 : i32
      %add3A_356 = vector.broadcast %add3A_355 : i32 to vector<16xi32>
      %add3A_357 = arith.addi %add3A_356, %get3A_323 : vector<16xi32>
      %swap3A_358 = arith.index_cast %mul3A_321 : i32 to index
      %swap3A_359 = tpu.vector_load %arg18[%swap3A_358] {strides = array<i32>} : memref<1568xi32, #tpu.memory_space<vmem>>, vector<16xi32>,
      %swap3A_360 = vector.shape_cast %swap3A_359 : vector<16xi32> to vector<16xi32>
      %swap3A_361 = vector.shape_cast %add3A_357 : vector<16xi32> to vector<16xi32>
      tpu.vector_store %arg18[%swap3A_358], %swap3A_361 {strides = array<i32>} : memref<1568xi32, #tpu.memory_space<vmem>>, vector<16xi32>,
      %add3A_362 = arith.constant 262144 : i32
      %add3A_363 = vector.broadcast %add3A_362 : i32 to vector<16xi32>
      %add3A_364 = arith.addi %add3A_357, %add3A_363 : vector<16xi32>
      %swap3A_365 = arith.index_cast %mul3A_321 : i32 to index
      %swap3A_366 = tpu.vector_load %arg19[%swap3A_365] {strides = array<i32>} : memref<1568xi32, #tpu.memory_space<vmem>>, vector<16xi32>,
      %swap3A_367 = vector.shape_cast %swap3A_366 : vector<16xi32> to vector<16xi32>
      %swap3A_368 = vector.shape_cast %add3A_364 : vector<16xi32> to vector<16xi32>
      tpu.vector_store %arg19[%swap3A_365], %swap3A_368 {strides = array<i32>} : memref<1568xi32, #tpu.memory_space<vmem>>, vector<16xi32>,
      %add3A_369 = arith.constant 524288 : i32
      %add3A_370 = vector.broadcast %add3A_369 : i32 to vector<16xi32>
      %add3A_371 = arith.addi %add3A_357, %add3A_370 : vector<16xi32>
      %swap3A_372 = arith.index_cast %mul3A_321 : i32 to index
      %swap3A_373 = tpu.vector_load %arg20[%swap3A_372] {strides = array<i32>} : memref<1568xi32, #tpu.memory_space<vmem>>, vector<16xi32>,
      %swap3A_374 = vector.shape_cast %swap3A_373 : vector<16xi32> to vector<16xi32>
      %swap3A_375 = vector.shape_cast %add3A_371 : vector<16xi32> to vector<16xi32>
      tpu.vector_store %arg20[%swap3A_372], %swap3A_375 {strides = array<i32>} : memref<1568xi32, #tpu.memory_space<vmem>>, vector<16xi32>,
    }
    %scan3A_216 = arith.constant 98 : i32
    "tpu.region"() ({
      %run_scoped3A = tpu.sem_alloc : memref<!tpu.dma_semaphore, #tpu.memory_space<semaphore_mem>>
      %dma_start3A_319 = arith.constant 0 : i32
      %dma_start3A_320 = tpu.memref_slice %arg8[%dma_start3A_319] : memref<1572864xf32, #tpu.memory_space<vmem_shared>> -> memref<1572864xf32, #tpu.memory_space<vmem_shared>>
      tpu.enqueue_indirect_dma source(%arg15 : memref<1568xf32, #tpu.memory_space<vmem>>) target(%dma_start3A_320 : memref<1572864xf32, #tpu.memory_space<vmem_shared>>) offsets(%arg18 : memref<1568xi32, #tpu.memory_space<vmem>>) semaphore(%run_scoped3A : memref<!tpu.dma_semaphore, #tpu.memory_space<semaphore_mem>>) {add = true}
      %dma_wait3A_321 = arith.constant 0 : i32
      %dma_wait3A_322 = tpu.memref_slice %arg8[%dma_wait3A_321] : memref<1572864xf32, #tpu.memory_space<vmem_shared>> -> memref<1572864xf32, #tpu.memory_space<vmem_shared>>
      tpu.wait_indirect_dma semaphore(%run_scoped3A : memref<!tpu.dma_semaphore, #tpu.memory_space<semaphore_mem>>) src(%arg15 : memref<1568xf32, #tpu.memory_space<vmem>>) dst(%dma_wait3A_322 : memref<1572864xf32, #tpu.memory_space<vmem_shared>>)
      tpu.yield
    }) : () -> ()
    "tpu.region"() ({
      %run_scoped3A = tpu.sem_alloc : memref<!tpu.dma_semaphore, #tpu.memory_space<semaphore_mem>>
      %dma_start3A_319 = arith.constant 0 : i32
      %dma_start3A_320 = tpu.memref_slice %arg8[%dma_start3A_319] : memref<1572864xf32, #tpu.memory_space<vmem_shared>> -> memref<1572864xf32, #tpu.memory_space<vmem_shared>>
      tpu.enqueue_indirect_dma source(%arg16 : memref<1568xf32, #tpu.memory_space<vmem>>) target(%dma_start3A_320 : memref<1572864xf32, #tpu.memory_space<vmem_shared>>) offsets(%arg19 : memref<1568xi32, #tpu.memory_space<vmem>>) semaphore(%run_scoped3A : memref<!tpu.dma_semaphore, #tpu.memory_space<semaphore_mem>>) {add = true}
      %dma_wait3A_321 = arith.constant 0 : i32
      %dma_wait3A_322 = tpu.memref_slice %arg8[%dma_wait3A_321] : memref<1572864xf32, #tpu.memory_space<vmem_shared>> -> memref<1572864xf32, #tpu.memory_space<vmem_shared>>
      tpu.wait_indirect_dma semaphore(%run_scoped3A : memref<!tpu.dma_semaphore, #tpu.memory_space<semaphore_mem>>) src(%arg16 : memref<1568xf32, #tpu.memory_space<vmem>>) dst(%dma_wait3A_322 : memref<1572864xf32, #tpu.memory_space<vmem_shared>>)
      tpu.yield
    }) : () -> ()
    "tpu.region"() ({
      %run_scoped3A = tpu.sem_alloc : memref<!tpu.dma_semaphore, #tpu.memory_space<semaphore_mem>>
      %dma_start3A_319 = arith.constant 0 : i32
      %dma_start3A_320 = tpu.memref_slice %arg8[%dma_start3A_319] : memref<1572864xf32, #tpu.memory_space<vmem_shared>> -> memref<1572864xf32, #tpu.memory_space<vmem_shared>>
      tpu.enqueue_indirect_dma source(%arg17 : memref<1568xf32, #tpu.memory_space<vmem>>) target(%dma_start3A_320 : memref<1572864xf32, #tpu.memory_space<vmem_shared>>) offsets(%arg20 : memref<1568xi32, #tpu.memory_space<vmem>>) semaphore(%run_scoped3A : memref<!tpu.dma_semaphore, #tpu.memory_space<semaphore_mem>>) {add = true}
      %dma_wait3A_321 = arith.constant 0 : i32
      %dma_wait3A_322 = tpu.memref_slice %arg8[%dma_wait3A_321] : memref<1572864xf32, #tpu.memory_space<vmem_shared>> -> memref<1572864xf32, #tpu.memory_space<vmem_shared>>
      tpu.wait_indirect_dma semaphore(%run_scoped3A : memref<!tpu.dma_semaphore, #tpu.memory_space<semaphore_mem>>) src(%arg17 : memref<1568xf32, #tpu.memory_space<vmem>>) dst(%dma_wait3A_322 : memref<1572864xf32, #tpu.memory_space<vmem_shared>>)
      tpu.yield
    }) : () -> ()
    %mul3A_217 = arith.constant 50176 : i32
    %mul3A_218 = arith.muli %add3A_193, %mul3A_217 : i32
    %mul3A_219 = arith.constant 2 : i32
    %mul3A_220 = arith.muli %arg1, %mul3A_219 : i32
    %add3A_221 = arith.constant 1 : i32
    %add3A_222 = arith.addi %mul3A_220, %add3A_221 : i32
    %mul3A_223 = arith.constant 1568 : i32
    %mul3A_224 = arith.muli %add3A_222, %mul3A_223 : i32
    %add3A_225 = arith.addi %mul3A_218, %mul3A_224 : i32
    "tpu.region"() ({
      %run_scoped3A = tpu.sem_alloc : memref<!tpu.dma_semaphore, #tpu.memory_space<semaphore_mem>>
      %dma_start3A_319 = tpu.memref_slice %arg2[%add3A_225] : memref<200704xi32, #tpu.memory_space<hbm>> -> memref<1568xi32, #tpu.memory_space<hbm>>
      %dma_start3A_320 = tpu.memref_slice %arg2[%add3A_225] : memref<200704xi32, #tpu.memory_space<hbm>> -> memref<1568xi32, #tpu.memory_space<hbm>>
      tpu.enqueue_dma source(%dma_start3A_320 : memref<1568xi32, #tpu.memory_space<hbm>>) target(%arg9 : memref<1568xi32, #tpu.memory_space<vmem>>) target_semaphore(%run_scoped3A : memref<!tpu.dma_semaphore, #tpu.memory_space<semaphore_mem>>)
      %dma_wait3A_321 = tpu.memref_slice %arg2[%add3A_225] : memref<200704xi32, #tpu.memory_space<hbm>> -> memref<1568xi32, #tpu.memory_space<hbm>>
      %dma_wait3A_322 = tpu.memref_slice %arg2[%add3A_225] : memref<200704xi32, #tpu.memory_space<hbm>> -> memref<1568xi32, #tpu.memory_space<hbm>>
      tpu.wait_dma2 semaphore(%run_scoped3A : memref<!tpu.dma_semaphore, #tpu.memory_space<semaphore_mem>>) src(%dma_wait3A_322 : memref<1568xi32, #tpu.memory_space<hbm>>) dst(%arg9 : memref<1568xi32, #tpu.memory_space<vmem>>)
      tpu.yield
    }) : () -> ()
    "tpu.region"() ({
      %run_scoped3A = tpu.sem_alloc : memref<!tpu.dma_semaphore, #tpu.memory_space<semaphore_mem>>
      %dma_start3A_319 = tpu.memref_slice %arg3[%add3A_225] : memref<200704xf32, #tpu.memory_space<hbm>> -> memref<1568xf32, #tpu.memory_space<hbm>>
      %dma_start3A_320 = tpu.memref_slice %arg3[%add3A_225] : memref<200704xf32, #tpu.memory_space<hbm>> -> memref<1568xf32, #tpu.memory_space<hbm>>
      tpu.enqueue_dma source(%dma_start3A_320 : memref<1568xf32, #tpu.memory_space<hbm>>) target(%arg10 : memref<1568xf32, #tpu.memory_space<vmem>>) target_semaphore(%run_scoped3A : memref<!tpu.dma_semaphore, #tpu.memory_space<semaphore_mem>>)
      %dma_wait3A_321 = tpu.memref_slice %arg3[%add3A_225] : memref<200704xf32, #tpu.memory_space<hbm>> -> memref<1568xf32, #tpu.memory_space<hbm>>
      %dma_wait3A_322 = tpu.memref_slice %arg3[%add3A_225] : memref<200704xf32, #tpu.memory_space<hbm>> -> memref<1568xf32, #tpu.memory_space<hbm>>
      tpu.wait_dma2 semaphore(%run_scoped3A : memref<!tpu.dma_semaphore, #tpu.memory_space<semaphore_mem>>) src(%dma_wait3A_322 : memref<1568xf32, #tpu.memory_space<hbm>>) dst(%arg10 : memref<1568xf32, #tpu.memory_space<vmem>>)
      tpu.yield
    }) : () -> ()
    "tpu.region"() ({
      %run_scoped3A = tpu.sem_alloc : memref<!tpu.dma_semaphore, #tpu.memory_space<semaphore_mem>>
      %dma_start3A_319 = tpu.memref_slice %arg4[%add3A_225] : memref<200704xf32, #tpu.memory_space<hbm>> -> memref<1568xf32, #tpu.memory_space<hbm>>
      %dma_start3A_320 = tpu.memref_slice %arg4[%add3A_225] : memref<200704xf32, #tpu.memory_space<hbm>> -> memref<1568xf32, #tpu.memory_space<hbm>>
      tpu.enqueue_dma source(%dma_start3A_320 : memref<1568xf32, #tpu.memory_space<hbm>>) target(%arg11 : memref<1568xf32, #tpu.memory_space<vmem>>) target_semaphore(%run_scoped3A : memref<!tpu.dma_semaphore, #tpu.memory_space<semaphore_mem>>)
      %dma_wait3A_321 = tpu.memref_slice %arg4[%add3A_225] : memref<200704xf32, #tpu.memory_space<hbm>> -> memref<1568xf32, #tpu.memory_space<hbm>>
      %dma_wait3A_322 = tpu.memref_slice %arg4[%add3A_225] : memref<200704xf32, #tpu.memory_space<hbm>> -> memref<1568xf32, #tpu.memory_space<hbm>>
      tpu.wait_dma2 semaphore(%run_scoped3A : memref<!tpu.dma_semaphore, #tpu.memory_space<semaphore_mem>>) src(%dma_wait3A_322 : memref<1568xf32, #tpu.memory_space<hbm>>) dst(%arg11 : memref<1568xf32, #tpu.memory_space<vmem>>)
      tpu.yield
    }) : () -> ()
    "tpu.region"() ({
      %run_scoped3A = tpu.sem_alloc : memref<!tpu.dma_semaphore, #tpu.memory_space<semaphore_mem>>
      %dma_start3A_319 = tpu.memref_slice %arg5[%add3A_225] : memref<200704xf32, #tpu.memory_space<hbm>> -> memref<1568xf32, #tpu.memory_space<hbm>>
      %dma_start3A_320 = tpu.memref_slice %arg5[%add3A_225] : memref<200704xf32, #tpu.memory_space<hbm>> -> memref<1568xf32, #tpu.memory_space<hbm>>
      tpu.enqueue_dma source(%dma_start3A_320 : memref<1568xf32, #tpu.memory_space<hbm>>) target(%arg12 : memref<1568xf32, #tpu.memory_space<vmem>>) target_semaphore(%run_scoped3A : memref<!tpu.dma_semaphore, #tpu.memory_space<semaphore_mem>>)
      %dma_wait3A_321 = tpu.memref_slice %arg5[%add3A_225] : memref<200704xf32, #tpu.memory_space<hbm>> -> memref<1568xf32, #tpu.memory_space<hbm>>
      %dma_wait3A_322 = tpu.memref_slice %arg5[%add3A_225] : memref<200704xf32, #tpu.memory_space<hbm>> -> memref<1568xf32, #tpu.memory_space<hbm>>
      tpu.wait_dma2 semaphore(%run_scoped3A : memref<!tpu.dma_semaphore, #tpu.memory_space<semaphore_mem>>) src(%dma_wait3A_322 : memref<1568xf32, #tpu.memory_space<hbm>>) dst(%arg12 : memref<1568xf32, #tpu.memory_space<vmem>>)
      tpu.yield
    }) : () -> ()
    %scan3A_226 = arith.constant 0 : i32
    %scan3A_227 = arith.constant 98 : i32
    %scan3A_228 = arith.addi %scan3A_226, %scan3A_227 : i32
    %scan3A_229 = arith.constant 1 : i32
    scf.for %scan3A_319 = %scan3A_226 to %scan3A_228 step %scan3A_229  : i32 {
      %mul3A_320 = arith.constant 16 : i32
      %mul3A_321 = arith.muli %scan3A_319, %mul3A_320 : i32
      %mul3A_322 = arith.constant 262144 : i32
      %mul3A_323 = arith.muli %add3A_193, %mul3A_322 : i32
      %get3A = arith.index_cast %mul3A_321 : i32 to index
      %get3A_324 = tpu.vector_load %arg9[%get3A] {strides = array<i32>} : memref<1568xi32, #tpu.memory_space<vmem>>, vector<16xi32>,
      %get3A_325 = vector.shape_cast %get3A_324 : vector<16xi32> to vector<16xi32>
      %add3A_326 = vector.broadcast %mul3A_323 : i32 to vector<16xi32>
      %add3A_327 = arith.addi %add3A_326, %get3A_325 : vector<16xi32>
      %swap3A = arith.index_cast %mul3A_321 : i32 to index
      %swap3A_328 = tpu.vector_load %arg13[%swap3A] {strides = array<i32>} : memref<1568xi32, #tpu.memory_space<vmem>>, vector<16xi32>,
      %swap3A_329 = vector.shape_cast %swap3A_328 : vector<16xi32> to vector<16xi32>
      %swap3A_330 = vector.shape_cast %add3A_327 : vector<16xi32> to vector<16xi32>
      tpu.vector_store %arg13[%swap3A], %swap3A_330 {strides = array<i32>} : memref<1568xi32, #tpu.memory_space<vmem>>, vector<16xi32>,
    }
    %scan3A_230 = arith.constant 98 : i32
    %dma_start3A_231 = arith.constant 0 : i32
    %dma_start3A_232 = tpu.memref_slice %arg6[%dma_start3A_231] : memref<1048576xf32, #tpu.memory_space<hbm>> -> memref<1048576xf32, #tpu.memory_space<hbm>>
    tpu.enqueue_indirect_dma source(%dma_start3A_232 : memref<1048576xf32, #tpu.memory_space<hbm>>) target(%arg14 : memref<1568xf32, #tpu.memory_space<vmem>>) offsets(%arg13 : memref<1568xi32, #tpu.memory_space<vmem>>) semaphore(%arg22 : memref<!tpu.dma_semaphore, #tpu.memory_space<semaphore_mem>>)
    %dma_wait3A_233 = arith.constant 0 : i32
    %dma_wait3A_234 = tpu.memref_slice %arg6[%dma_wait3A_233] : memref<1048576xf32, #tpu.memory_space<hbm>> -> memref<1048576xf32, #tpu.memory_space<hbm>>
    tpu.wait_indirect_dma semaphore(%arg22 : memref<!tpu.dma_semaphore, #tpu.memory_space<semaphore_mem>>) src(%dma_wait3A_234 : memref<1048576xf32, #tpu.memory_space<hbm>>) dst(%arg14 : memref<1568xf32, #tpu.memory_space<vmem>>)
    %scan3A_235 = arith.constant 0 : i32
    %scan3A_236 = arith.constant 98 : i32
    %scan3A_237 = arith.addi %scan3A_235, %scan3A_236 : i32
    %scan3A_238 = arith.constant 1 : i32
    scf.for %scan3A_319 = %scan3A_235 to %scan3A_237 step %scan3A_238  : i32 {
      %mul3A_320 = arith.constant 16 : i32
      %mul3A_321 = arith.muli %scan3A_319, %mul3A_320 : i32
      %get3A = arith.index_cast %mul3A_321 : i32 to index
      %get3A_322 = tpu.vector_load %arg9[%get3A] {strides = array<i32>} : memref<1568xi32, #tpu.memory_space<vmem>>, vector<16xi32>,
      %get3A_323 = vector.shape_cast %get3A_322 : vector<16xi32> to vector<16xi32>
      %get3A_324 = arith.index_cast %mul3A_321 : i32 to index
      %get3A_325 = tpu.vector_load %arg10[%get3A_324] {strides = array<i32>} : memref<1568xf32, #tpu.memory_space<vmem>>, vector<16xf32>,
      %get3A_326 = vector.shape_cast %get3A_325 : vector<16xf32> to vector<16xf32>
      %gt3A = arith.constant 0xFF800000 : f32
      %gt3A_327 = vector.broadcast %gt3A : f32 to vector<16xf32>
      %gt3A_328 = arith.cmpf ogt, %get3A_326, %gt3A_327 : vector<16xf32>
      %get3A_329 = arith.index_cast %mul3A_321 : i32 to index
      %get3A_330 = tpu.vector_load %arg14[%get3A_329] {strides = array<i32>} : memref<1568xf32, #tpu.memory_space<vmem>>, vector<16xf32>,
      %get3A_331 = vector.shape_cast %get3A_330 : vector<16xf32> to vector<16xf32>
      %sub3A = arith.constant 9.99999997E-7 : f32
      %sub3A_332 = vector.broadcast %sub3A : f32 to vector<16xf32>
      %sub3A_333 = arith.subf %get3A_331, %sub3A_332 : vector<16xf32>
      %ge3A = arith.cmpf oge, %get3A_326, %sub3A_333 : vector<16xf32>
      %and3A = arith.andi %gt3A_328, %ge3A : vector<16xi1>
      %jit3A = arith.constant 1.000000e+00 : f32
      %jit3A_334 = arith.constant 0.000000e+00 : f32
      %broadcast_in_dim3A = vector.broadcast %jit3A : f32 to vector<16xf32>
      %broadcast_in_dim3A_335 = vector.broadcast %jit3A_334 : f32 to vector<16xf32>
      %select_n3A = arith.select %and3A, %broadcast_in_dim3A, %broadcast_in_dim3A_335 : vector<16xi1>, vector<16xf32>
      %get3A_336 = arith.index_cast %mul3A_321 : i32 to index
      %get3A_337 = tpu.vector_load %arg11[%get3A_336] {strides = array<i32>} : memref<1568xf32, #tpu.memory_space<vmem>>, vector<16xf32>,
      %get3A_338 = vector.shape_cast %get3A_337 : vector<16xf32> to vector<16xf32>
      %mul3A_339 = arith.mulf %get3A_338, %select_n3A : vector<16xf32>
      %swap3A = arith.index_cast %mul3A_321 : i32 to index
      %swap3A_340 = tpu.vector_load %arg15[%swap3A] {strides = array<i32>} : memref<1568xf32, #tpu.memory_space<vmem>>, vector<16xf32>,
      %swap3A_341 = vector.shape_cast %swap3A_340 : vector<16xf32> to vector<16xf32>
      %swap3A_342 = vector.shape_cast %mul3A_339 : vector<16xf32> to vector<16xf32>
      tpu.vector_store %arg15[%swap3A], %swap3A_342 {strides = array<i32>} : memref<1568xf32, #tpu.memory_space<vmem>>, vector<16xf32>,
      %get3A_343 = arith.index_cast %mul3A_321 : i32 to index
      %get3A_344 = tpu.vector_load %arg12[%get3A_343] {strides = array<i32>} : memref<1568xf32, #tpu.memory_space<vmem>>, vector<16xf32>,
      %get3A_345 = vector.shape_cast %get3A_344 : vector<16xf32> to vector<16xf32>
      %mul3A_346 = arith.mulf %get3A_345, %select_n3A : vector<16xf32>
      %swap3A_347 = arith.index_cast %mul3A_321 : i32 to index
      %swap3A_348 = tpu.vector_load %arg16[%swap3A_347] {strides = array<i32>} : memref<1568xf32, #tpu.memory_space<vmem>>, vector<16xf32>,
      %swap3A_349 = vector.shape_cast %swap3A_348 : vector<16xf32> to vector<16xf32>
      %swap3A_350 = vector.shape_cast %mul3A_346 : vector<16xf32> to vector<16xf32>
      tpu.vector_store %arg16[%swap3A_347], %swap3A_350 {strides = array<i32>} : memref<1568xf32, #tpu.memory_space<vmem>>, vector<16xf32>,
      %swap3A_351 = arith.index_cast %mul3A_321 : i32 to index
      %swap3A_352 = tpu.vector_load %arg17[%swap3A_351] {strides = array<i32>} : memref<1568xf32, #tpu.memory_space<vmem>>, vector<16xf32>,
      %swap3A_353 = vector.shape_cast %swap3A_352 : vector<16xf32> to vector<16xf32>
      %swap3A_354 = vector.shape_cast %select_n3A : vector<16xf32> to vector<16xf32>
      tpu.vector_store %arg17[%swap3A_351], %swap3A_354 {strides = array<i32>} : memref<1568xf32, #tpu.memory_space<vmem>>, vector<16xf32>,
      %add3A_355 = arith.constant 786432 : i32
      %add3A_356 = vector.broadcast %add3A_355 : i32 to vector<16xi32>
      %add3A_357 = arith.addi %add3A_356, %get3A_323 : vector<16xi32>
      %swap3A_358 = arith.index_cast %mul3A_321 : i32 to index
      %swap3A_359 = tpu.vector_load %arg18[%swap3A_358] {strides = array<i32>} : memref<1568xi32, #tpu.memory_space<vmem>>, vector<16xi32>,
      %swap3A_360 = vector.shape_cast %swap3A_359 : vector<16xi32> to vector<16xi32>
      %swap3A_361 = vector.shape_cast %add3A_357 : vector<16xi32> to vector<16xi32>
      tpu.vector_store %arg18[%swap3A_358], %swap3A_361 {strides = array<i32>} : memref<1568xi32, #tpu.memory_space<vmem>>, vector<16xi32>,
      %add3A_362 = arith.constant 262144 : i32
      %add3A_363 = vector.broadcast %add3A_362 : i32 to vector<16xi32>
      %add3A_364 = arith.addi %add3A_357, %add3A_363 : vector<16xi32>
      %swap3A_365 = arith.index_cast %mul3A_321 : i32 to index
      %swap3A_366 = tpu.vector_load %arg19[%swap3A_365] {strides = array<i32>} : memref<1568xi32, #tpu.memory_space<vmem>>, vector<16xi32>,
      %swap3A_367 = vector.shape_cast %swap3A_366 : vector<16xi32> to vector<16xi32>
      %swap3A_368 = vector.shape_cast %add3A_364 : vector<16xi32> to vector<16xi32>
      tpu.vector_store %arg19[%swap3A_365], %swap3A_368 {strides = array<i32>} : memref<1568xi32, #tpu.memory_space<vmem>>, vector<16xi32>,
      %add3A_369 = arith.constant 524288 : i32
      %add3A_370 = vector.broadcast %add3A_369 : i32 to vector<16xi32>
      %add3A_371 = arith.addi %add3A_357, %add3A_370 : vector<16xi32>
      %swap3A_372 = arith.index_cast %mul3A_321 : i32 to index
      %swap3A_373 = tpu.vector_load %arg20[%swap3A_372] {strides = array<i32>} : memref<1568xi32, #tpu.memory_space<vmem>>, vector<16xi32>,
      %swap3A_374 = vector.shape_cast %swap3A_373 : vector<16xi32> to vector<16xi32>
      %swap3A_375 = vector.shape_cast %add3A_371 : vector<16xi32> to vector<16xi32>
      tpu.vector_store %arg20[%swap3A_372], %swap3A_375 {strides = array<i32>} : memref<1568xi32, #tpu.memory_space<vmem>>, vector<16xi32>,
    }
    %scan3A_239 = arith.constant 98 : i32
    "tpu.region"() ({
      %run_scoped3A = tpu.sem_alloc : memref<!tpu.dma_semaphore, #tpu.memory_space<semaphore_mem>>
      %dma_start3A_319 = arith.constant 0 : i32
      %dma_start3A_320 = tpu.memref_slice %arg8[%dma_start3A_319] : memref<1572864xf32, #tpu.memory_space<vmem_shared>> -> memref<1572864xf32, #tpu.memory_space<vmem_shared>>
      tpu.enqueue_indirect_dma source(%arg15 : memref<1568xf32, #tpu.memory_space<vmem>>) target(%dma_start3A_320 : memref<1572864xf32, #tpu.memory_space<vmem_shared>>) offsets(%arg18 : memref<1568xi32, #tpu.memory_space<vmem>>) semaphore(%run_scoped3A : memref<!tpu.dma_semaphore, #tpu.memory_space<semaphore_mem>>) {add = true}
      %dma_wait3A_321 = arith.constant 0 : i32
      %dma_wait3A_322 = tpu.memref_slice %arg8[%dma_wait3A_321] : memref<1572864xf32, #tpu.memory_space<vmem_shared>> -> memref<1572864xf32, #tpu.memory_space<vmem_shared>>
      tpu.wait_indirect_dma semaphore(%run_scoped3A : memref<!tpu.dma_semaphore, #tpu.memory_space<semaphore_mem>>) src(%arg15 : memref<1568xf32, #tpu.memory_space<vmem>>) dst(%dma_wait3A_322 : memref<1572864xf32, #tpu.memory_space<vmem_shared>>)
      tpu.yield
    }) : () -> ()
    "tpu.region"() ({
      %run_scoped3A = tpu.sem_alloc : memref<!tpu.dma_semaphore, #tpu.memory_space<semaphore_mem>>
      %dma_start3A_319 = arith.constant 0 : i32
      %dma_start3A_320 = tpu.memref_slice %arg8[%dma_start3A_319] : memref<1572864xf32, #tpu.memory_space<vmem_shared>> -> memref<1572864xf32, #tpu.memory_space<vmem_shared>>
      tpu.enqueue_indirect_dma source(%arg16 : memref<1568xf32, #tpu.memory_space<vmem>>) target(%dma_start3A_320 : memref<1572864xf32, #tpu.memory_space<vmem_shared>>) offsets(%arg19 : memref<1568xi32, #tpu.memory_space<vmem>>) semaphore(%run_scoped3A : memref<!tpu.dma_semaphore, #tpu.memory_space<semaphore_mem>>) {add = true}
      %dma_wait3A_321 = arith.constant 0 : i32
      %dma_wait3A_322 = tpu.memref_slice %arg8[%dma_wait3A_321] : memref<1572864xf32, #tpu.memory_space<vmem_shared>> -> memref<1572864xf32, #tpu.memory_space<vmem_shared>>
      tpu.wait_indirect_dma semaphore(%run_scoped3A : memref<!tpu.dma_semaphore, #tpu.memory_space<semaphore_mem>>) src(%arg16 : memref<1568xf32, #tpu.memory_space<vmem>>) dst(%dma_wait3A_322 : memref<1572864xf32, #tpu.memory_space<vmem_shared>>)
      tpu.yield
    }) : () -> ()
    "tpu.region"() ({
      %run_scoped3A = tpu.sem_alloc : memref<!tpu.dma_semaphore, #tpu.memory_space<semaphore_mem>>
      %dma_start3A_319 = arith.constant 0 : i32
      %dma_start3A_320 = tpu.memref_slice %arg8[%dma_start3A_319] : memref<1572864xf32, #tpu.memory_space<vmem_shared>> -> memref<1572864xf32, #tpu.memory_space<vmem_shared>>
      tpu.enqueue_indirect_dma source(%arg17 : memref<1568xf32, #tpu.memory_space<vmem>>) target(%dma_start3A_320 : memref<1572864xf32, #tpu.memory_space<vmem_shared>>) offsets(%arg20 : memref<1568xi32, #tpu.memory_space<vmem>>) semaphore(%run_scoped3A : memref<!tpu.dma_semaphore, #tpu.memory_space<semaphore_mem>>) {add = true}
      %dma_wait3A_321 = arith.constant 0 : i32
      %dma_wait3A_322 = tpu.memref_slice %arg8[%dma_wait3A_321] : memref<1572864xf32, #tpu.memory_space<vmem_shared>> -> memref<1572864xf32, #tpu.memory_space<vmem_shared>>
      tpu.wait_indirect_dma semaphore(%run_scoped3A : memref<!tpu.dma_semaphore, #tpu.memory_space<semaphore_mem>>) src(%arg17 : memref<1568xf32, #tpu.memory_space<vmem>>) dst(%dma_wait3A_322 : memref<1572864xf32, #tpu.memory_space<vmem_shared>>)
      tpu.yield
    }) : () -> ()
    %barrier3A_240 = arith.constant 0 : index
    tpu.barrier barrier_id(%barrier3A_240)
    %add3A_241 = arith.constant 0 : i32
    %add3A_242 = arith.addi %add3A_241, %arg0 : i32
    %mul3A_243 = arith.constant 16384 : i32
    %mul3A_244 = arith.muli %arg1, %mul3A_243 : i32
    %add3A_245 = arith.constant 0 : i32
    %add3A_246 = arith.addi %add3A_245, %mul3A_244 : i32
    %add3A_247 = arith.constant 0 : i32
    %add3A_248 = arith.addi %add3A_247, %add3A_242 : i32
    %mul3A_249 = arith.constant 262144 : i32
    %mul3A_250 = arith.muli %add3A_248, %mul3A_249 : i32
    %mul3A_251 = arith.constant 16384 : i32
    %mul3A_252 = arith.muli %arg1, %mul3A_251 : i32
    %add3A_253 = arith.addi %mul3A_250, %mul3A_252 : i32
    "tpu.region"() ({
      %run_scoped3A = tpu.sem_alloc : memref<!tpu.dma_semaphore, #tpu.memory_space<semaphore_mem>>
      %dma_start3A_319 = tpu.memref_slice %arg7[%add3A_253] : memref<3145728xf32, #tpu.memory_space<hbm>> -> memref<16384xf32, #tpu.memory_space<hbm>>
      %dma_start3A_320 = tpu.memref_slice %arg8[%add3A_246] : memref<1572864xf32, #tpu.memory_space<vmem_shared>> -> memref<16384xf32, #tpu.memory_space<vmem_shared>>
      tpu.enqueue_dma source(%dma_start3A_320 : memref<16384xf32, #tpu.memory_space<vmem_shared>>) target(%dma_start3A_319 : memref<16384xf32, #tpu.memory_space<hbm>>) target_semaphore(%run_scoped3A : memref<!tpu.dma_semaphore, #tpu.memory_space<semaphore_mem>>)
      %dma_wait3A_321 = tpu.memref_slice %arg7[%add3A_253] : memref<3145728xf32, #tpu.memory_space<hbm>> -> memref<16384xf32, #tpu.memory_space<hbm>>
      %dma_wait3A_322 = tpu.memref_slice %arg8[%add3A_246] : memref<1572864xf32, #tpu.memory_space<vmem_shared>> -> memref<16384xf32, #tpu.memory_space<vmem_shared>>
      tpu.wait_dma2 semaphore(%run_scoped3A : memref<!tpu.dma_semaphore, #tpu.memory_space<semaphore_mem>>) src(%dma_wait3A_322 : memref<16384xf32, #tpu.memory_space<vmem_shared>>) dst(%dma_wait3A_321 : memref<16384xf32, #tpu.memory_space<hbm>>)
      tpu.yield
    }) : () -> ()
    %add3A_254 = arith.constant 0 : i32
    %add3A_255 = arith.addi %add3A_254, %arg0 : i32
    %mul3A_256 = arith.constant 16384 : i32
    %mul3A_257 = arith.muli %arg1, %mul3A_256 : i32
    %add3A_258 = arith.constant 262144 : i32
    %add3A_259 = arith.addi %add3A_258, %mul3A_257 : i32
    %add3A_260 = arith.constant 4 : i32
    %add3A_261 = arith.addi %add3A_260, %add3A_255 : i32
    %mul3A_262 = arith.constant 262144 : i32
    %mul3A_263 = arith.muli %add3A_261, %mul3A_262 : i32
    %mul3A_264 = arith.constant 16384 : i32
    %mul3A_265 = arith.muli %arg1, %mul3A_264 : i32
    %add3A_266 = arith.addi %mul3A_263, %mul3A_265 : i32
    "tpu.region"() ({
      %run_scoped3A = tpu.sem_alloc : memref<!tpu.dma_semaphore, #tpu.memory_space<semaphore_mem>>
      %dma_start3A_319 = tpu.memref_slice %arg7[%add3A_266] : memref<3145728xf32, #tpu.memory_space<hbm>> -> memref<16384xf32, #tpu.memory_space<hbm>>
      %dma_start3A_320 = tpu.memref_slice %arg8[%add3A_259] : memref<1572864xf32, #tpu.memory_space<vmem_shared>> -> memref<16384xf32, #tpu.memory_space<vmem_shared>>
      tpu.enqueue_dma source(%dma_start3A_320 : memref<16384xf32, #tpu.memory_space<vmem_shared>>) target(%dma_start3A_319 : memref<16384xf32, #tpu.memory_space<hbm>>) target_semaphore(%run_scoped3A : memref<!tpu.dma_semaphore, #tpu.memory_space<semaphore_mem>>)
      %dma_wait3A_321 = tpu.memref_slice %arg7[%add3A_266] : memref<3145728xf32, #tpu.memory_space<hbm>> -> memref<16384xf32, #tpu.memory_space<hbm>>
      %dma_wait3A_322 = tpu.memref_slice %arg8[%add3A_259] : memref<1572864xf32, #tpu.memory_space<vmem_shared>> -> memref<16384xf32, #tpu.memory_space<vmem_shared>>
      tpu.wait_dma2 semaphore(%run_scoped3A : memref<!tpu.dma_semaphore, #tpu.memory_space<semaphore_mem>>) src(%dma_wait3A_322 : memref<16384xf32, #tpu.memory_space<vmem_shared>>) dst(%dma_wait3A_321 : memref<16384xf32, #tpu.memory_space<hbm>>)
      tpu.yield
    }) : () -> ()
    %add3A_267 = arith.constant 0 : i32
    %add3A_268 = arith.addi %add3A_267, %arg0 : i32
    %mul3A_269 = arith.constant 16384 : i32
    %mul3A_270 = arith.muli %arg1, %mul3A_269 : i32
    %add3A_271 = arith.constant 524288 : i32
    %add3A_272 = arith.addi %add3A_271, %mul3A_270 : i32
    %add3A_273 = arith.constant 8 : i32
    %add3A_274 = arith.addi %add3A_273, %add3A_268 : i32
    %mul3A_275 = arith.constant 262144 : i32
    %mul3A_276 = arith.muli %add3A_274, %mul3A_275 : i32
    %mul3A_277 = arith.constant 16384 : i32
    %mul3A_278 = arith.muli %arg1, %mul3A_277 : i32
    %add3A_279 = arith.addi %mul3A_276, %mul3A_278 : i32
    "tpu.region"() ({
      %run_scoped3A = tpu.sem_alloc : memref<!tpu.dma_semaphore, #tpu.memory_space<semaphore_mem>>
      %dma_start3A_319 = tpu.memref_slice %arg7[%add3A_279] : memref<3145728xf32, #tpu.memory_space<hbm>> -> memref<16384xf32, #tpu.memory_space<hbm>>
      %dma_start3A_320 = tpu.memref_slice %arg8[%add3A_272] : memref<1572864xf32, #tpu.memory_space<vmem_shared>> -> memref<16384xf32, #tpu.memory_space<vmem_shared>>
      tpu.enqueue_dma source(%dma_start3A_320 : memref<16384xf32, #tpu.memory_space<vmem_shared>>) target(%dma_start3A_319 : memref<16384xf32, #tpu.memory_space<hbm>>) target_semaphore(%run_scoped3A : memref<!tpu.dma_semaphore, #tpu.memory_space<semaphore_mem>>)
      %dma_wait3A_321 = tpu.memref_slice %arg7[%add3A_279] : memref<3145728xf32, #tpu.memory_space<hbm>> -> memref<16384xf32, #tpu.memory_space<hbm>>
      %dma_wait3A_322 = tpu.memref_slice %arg8[%add3A_272] : memref<1572864xf32, #tpu.memory_space<vmem_shared>> -> memref<16384xf32, #tpu.memory_space<vmem_shared>>
      tpu.wait_dma2 semaphore(%run_scoped3A : memref<!tpu.dma_semaphore, #tpu.memory_space<semaphore_mem>>) src(%dma_wait3A_322 : memref<16384xf32, #tpu.memory_space<vmem_shared>>) dst(%dma_wait3A_321 : memref<16384xf32, #tpu.memory_space<hbm>>)
      tpu.yield
    }) : () -> ()
    %add3A_280 = arith.constant 2 : i32
    %add3A_281 = arith.addi %add3A_280, %arg0 : i32
    %mul3A_282 = arith.constant 16384 : i32
    %mul3A_283 = arith.muli %arg1, %mul3A_282 : i32
    %add3A_284 = arith.constant 786432 : i32
    %add3A_285 = arith.addi %add3A_284, %mul3A_283 : i32
    %add3A_286 = arith.constant 0 : i32
    %add3A_287 = arith.addi %add3A_286, %add3A_281 : i32
    %mul3A_288 = arith.constant 262144 : i32
    %mul3A_289 = arith.muli %add3A_287, %mul3A_288 : i32
    %mul3A_290 = arith.constant 16384 : i32
    %mul3A_291 = arith.muli %arg1, %mul3A_290 : i32
    %add3A_292 = arith.addi %mul3A_289, %mul3A_291 : i32
    "tpu.region"() ({
      %run_scoped3A = tpu.sem_alloc : memref<!tpu.dma_semaphore, #tpu.memory_space<semaphore_mem>>
      %dma_start3A_319 = tpu.memref_slice %arg7[%add3A_292] : memref<3145728xf32, #tpu.memory_space<hbm>> -> memref<16384xf32, #tpu.memory_space<hbm>>
      %dma_start3A_320 = tpu.memref_slice %arg8[%add3A_285] : memref<1572864xf32, #tpu.memory_space<vmem_shared>> -> memref<16384xf32, #tpu.memory_space<vmem_shared>>
      tpu.enqueue_dma source(%dma_start3A_320 : memref<16384xf32, #tpu.memory_space<vmem_shared>>) target(%dma_start3A_319 : memref<16384xf32, #tpu.memory_space<hbm>>) target_semaphore(%run_scoped3A : memref<!tpu.dma_semaphore, #tpu.memory_space<semaphore_mem>>)
      %dma_wait3A_321 = tpu.memref_slice %arg7[%add3A_292] : memref<3145728xf32, #tpu.memory_space<hbm>> -> memref<16384xf32, #tpu.memory_space<hbm>>
      %dma_wait3A_322 = tpu.memref_slice %arg8[%add3A_285] : memref<1572864xf32, #tpu.memory_space<vmem_shared>> -> memref<16384xf32, #tpu.memory_space<vmem_shared>>
      tpu.wait_dma2 semaphore(%run_scoped3A : memref<!tpu.dma_semaphore, #tpu.memory_space<semaphore_mem>>) src(%dma_wait3A_322 : memref<16384xf32, #tpu.memory_space<vmem_shared>>) dst(%dma_wait3A_321 : memref<16384xf32, #tpu.memory_space<hbm>>)
      tpu.yield
    }) : () -> ()
    %add3A_293 = arith.constant 2 : i32
    %add3A_294 = arith.addi %add3A_293, %arg0 : i32
    %mul3A_295 = arith.constant 16384 : i32
    %mul3A_296 = arith.muli %arg1, %mul3A_295 : i32
    %add3A_297 = arith.constant 1048576 : i32
    %add3A_298 = arith.addi %add3A_297, %mul3A_296 : i32
    %add3A_299 = arith.constant 4 : i32
    %add3A_300 = arith.addi %add3A_299, %add3A_294 : i32
    %mul3A_301 = arith.constant 262144 : i32
    %mul3A_302 = arith.muli %add3A_300, %mul3A_301 : i32
    %mul3A_303 = arith.constant 16384 : i32
    %mul3A_304 = arith.muli %arg1, %mul3A_303 : i32
    %add3A_305 = arith.addi %mul3A_302, %mul3A_304 : i32
    "tpu.region"() ({
      %run_scoped3A = tpu.sem_alloc : memref<!tpu.dma_semaphore, #tpu.memory_space<semaphore_mem>>
      %dma_start3A_319 = tpu.memref_slice %arg7[%add3A_305] : memref<3145728xf32, #tpu.memory_space<hbm>> -> memref<16384xf32, #tpu.memory_space<hbm>>
      %dma_start3A_320 = tpu.memref_slice %arg8[%add3A_298] : memref<1572864xf32, #tpu.memory_space<vmem_shared>> -> memref<16384xf32, #tpu.memory_space<vmem_shared>>
      tpu.enqueue_dma source(%dma_start3A_320 : memref<16384xf32, #tpu.memory_space<vmem_shared>>) target(%dma_start3A_319 : memref<16384xf32, #tpu.memory_space<hbm>>) target_semaphore(%run_scoped3A : memref<!tpu.dma_semaphore, #tpu.memory_space<semaphore_mem>>)
      %dma_wait3A_321 = tpu.memref_slice %arg7[%add3A_305] : memref<3145728xf32, #tpu.memory_space<hbm>> -> memref<16384xf32, #tpu.memory_space<hbm>>
      %dma_wait3A_322 = tpu.memref_slice %arg8[%add3A_298] : memref<1572864xf32, #tpu.memory_space<vmem_shared>> -> memref<16384xf32, #tpu.memory_space<vmem_shared>>
      tpu.wait_dma2 semaphore(%run_scoped3A : memref<!tpu.dma_semaphore, #tpu.memory_space<semaphore_mem>>) src(%dma_wait3A_322 : memref<16384xf32, #tpu.memory_space<vmem_shared>>) dst(%dma_wait3A_321 : memref<16384xf32, #tpu.memory_space<hbm>>)
      tpu.yield
    }) : () -> ()
    %add3A_306 = arith.constant 2 : i32
    %add3A_307 = arith.addi %add3A_306, %arg0 : i32
    %mul3A_308 = arith.constant 16384 : i32
    %mul3A_309 = arith.muli %arg1, %mul3A_308 : i32
    %add3A_310 = arith.constant 1310720 : i32
    %add3A_311 = arith.addi %add3A_310, %mul3A_309 : i32
    %add3A_312 = arith.constant 8 : i32
    %add3A_313 = arith.addi %add3A_312, %add3A_307 : i32
    %mul3A_314 = arith.constant 262144 : i32
    %mul3A_315 = arith.muli %add3A_313, %mul3A_314 : i32
    %mul3A_316 = arith.constant 16384 : i32
    %mul3A_317 = arith.muli %arg1, %mul3A_316 : i32
    %add3A_318 = arith.addi %mul3A_315, %mul3A_317 : i32
    "tpu.region"() ({
      %run_scoped3A = tpu.sem_alloc : memref<!tpu.dma_semaphore, #tpu.memory_space<semaphore_mem>>
      %dma_start3A_319 = tpu.memref_slice %arg7[%add3A_318] : memref<3145728xf32, #tpu.memory_space<hbm>> -> memref<16384xf32, #tpu.memory_space<hbm>>
      %dma_start3A_320 = tpu.memref_slice %arg8[%add3A_311] : memref<1572864xf32, #tpu.memory_space<vmem_shared>> -> memref<16384xf32, #tpu.memory_space<vmem_shared>>
      tpu.enqueue_dma source(%dma_start3A_320 : memref<16384xf32, #tpu.memory_space<vmem_shared>>) target(%dma_start3A_319 : memref<16384xf32, #tpu.memory_space<hbm>>) target_semaphore(%run_scoped3A : memref<!tpu.dma_semaphore, #tpu.memory_space<semaphore_mem>>)
      %dma_wait3A_321 = tpu.memref_slice %arg7[%add3A_318] : memref<3145728xf32, #tpu.memory_space<hbm>> -> memref<16384xf32, #tpu.memory_space<hbm>>
      %dma_wait3A_322 = tpu.memref_slice %arg8[%add3A_311] : memref<1572864xf32, #tpu.memory_space<vmem_shared>> -> memref<16384xf32, #tpu.memory_space<vmem_shared>>
      tpu.wait_dma2 semaphore(%run_scoped3A : memref<!tpu.dma_semaphore, #tpu.memory_space<semaphore_mem>>) src(%dma_wait3A_322 : memref<16384xf32, #tpu.memory_space<vmem_shared>>) dst(%dma_wait3A_321 : memref<16384xf32, #tpu.memory_space<hbm>>)
      tpu.yield
    }) : () -> ()
    return
  }
}

</mosaic_0001>

<sc_bundles>
// kernel: _accum_sc.3.cloned.1.call-start
scs
__scs_entry_jumppad:
0x0: {  	(pc) =	sbr.rel $0x88, $3  }
0x1: {  	(tag) =	ssettag $0x0;
	lr =	simm.s32 $0x1  }
0x2: {  	[smem:$0x3F9C] =	sst lr;
	_ =	strace $0xD0000000  }
0x3: {  	_ = 	snop  }
0x4: {  	_ = 	snop  }
0x5: {  	_ = 	snop  }
0x6: {  	_ = 	snop  }
0x7: {  	_ = 	snop  }
__scs_overlays_trampoline_lowered:
0x8: {  	[smem:$0x3FAB] =	sst s0  }
0x9: {  	[smem:$0x3FAC] =	sst s1  }
0xa: {  	[smem:$0x3FAD] =	sst s2  }
0xb: {  	[smem:$0x3FAE] =	sst s3  }
0xc: {  	[smem:$0x3FAF] =	sst s4  }
0xd: {  	[smem:$0x3FB0] =	sst s5  }
0xe: {  	[smem:$0x3FB1] =	sst s6  }
0xf: {  	[smem:$0x3FB2] =	sst s7  }
0x10: {  	[smem:$0x3FB3] =	sst s8  }
0x11: {  	[smem:$0x3FB4] =	sst s9;
	s0 =	simm.s32 @!p0 $0x0  }
0x12: {  	s1 =	sld [smem:$0x3F9A];
	s0 =	simm.s32 @p0 $0x1  }
0x13: {  	[smem:$0x3FB5] =	sst s0;
	s0 =	simm.s32 @!p1 $0x0  }
0x14: {  	s2 =	sld [smem:$0x3F99];
	s0 =	simm.s32 @p1 $0x1  }
0x15: {  	[smem:$0x3FB6] =	sst s0;
	s0 =	simm.s32 @!p2 $0x0  }
0x16: {  	s3 =	sld [smem:$0x3FDB];
	s0 =	simm.s32 @p2 $0x1  }
0x17: {  	s4 =	simm.s32 $0x1BF5;
	[smem:$0x3FB8] =	sst s0  }
0x18: {  	s0 =	sld [smem:$0x3F9B];
	_ =	swait.ge [sflag:s4], $0x0  }
0x19: {  	s7 =	sld [smem:$0x3F9C]  }
0x1a: {  	s8 =	sadd.s32 $0xFFFFE003, lr  }
0x1b: {  	s9 =	sadd.s32 $0xFFFFFEF7, lr;
	s5 =	simm.s32 $0xFFFFFFFF;
	p2 =	slt.u32 s8, $0xFFFFF086  }
0x1c: {  	p1 =	slt.u32 s9, $0xF7A;
	s5 =	simm.s32 @!p2 $0x0  }
0x1d: {  	s5 =	simm.s32 @p1 $0x1;
	p0 =	seq.s32 s7, s2  }
0x1e: {  	s7 =	smul.u32 @!p0 $0xF7A, s2;
	p2 =	seq.s32 @!p0 s5, $0x0  }
0x1f: {  	s9 =	smul.u32 $0xF7A, s1;
	s8 =	simm.s32 @!p0 $0x1BF5;
	p2 =	por !p2, p0  }
0x20: {  	[sflag:s8] =	ssyncset.s32 @!p0 $0xFFFFF086;
	s6 =	sadd.s32 @!p0 s3, s7;
	s7 =	simm.s32 @!p0 $0x108  }
0x21: {  	s3 =	sadd.s32 s3, s9;
	s6 =	sadd.s32 @!p0 $0x88, s6;
	s7 =	simm.s32 @p2 $0x1082  }
0x22: {  	[simem:s7], [sflag:s8] =	dma.local @!p0 [hbm:s6], $0xF7A  }
0x23: {  	s9 =	sor.u32 $0xD0000000, s2;
	s6 =	simm.s32 $0x108;
	_ =	swait.ge @!p0 [sflag:s8], $0x0  }
0x24: {  	s3 =	sadd.s32 $0x88, s3;
	s6 =	simm.s32 @!p1 $0x1082;
	[sflag:s4] =	ssyncset.s32 $0xFFFFF086  }
0x25: {  	[simem:s6], [sflag:s4] =	dma.local [hbm:s3], $0xF7A  }
0x26: {  	[smem:$0x3F9C] =	sst s1;
	(tag) =	ssettag s2;
	_ =	strace s9  }
0x27: {  	s1 =	sld [smem:$0x3FAC]  }
0x28: {  	s2 =	sld [smem:$0x3FAD]  }
0x29: {  	s4 =	sld [smem:$0x3FAF]  }
0x2a: {  	p0 =	seq.s32 s5, $0x0;
	s5 =	sld [smem:$0x3FB0]  }
0x2b: {  	s6 =	sld [smem:$0x3FB1]  }
0x2c: {  	s7 =	sld [smem:$0x3FB2]  }
0x2d: {  	s3 =	simm.s32 $0x108;
	s8 =	sld [smem:$0x3FB3]  }
0x2e: {  	s3 =	simm.s32 @!p0 $0x1082;
	s9 =	sld [smem:$0x3FB4]  }
0x2f: {  	lr =	sadd.s32 s0, s3;
	s0 =	sld [smem:$0x3FAB]  }
0x30: {  	s3 =	sld [smem:$0x3FAE]  }
0x31: {  	[smem:$0x3FB7] =	sst s10  }
0x32: {  	s10 =	sld [smem:$0x3FB5];
	_ =	sdelay $0x3  }
0x33: {  	p0 =	seq.s32 s10, $0x1;
	s10 =	sld [smem:$0x3FB7];
	_ =	sdelay $0x3  }
0x34: {  	[smem:$0x3FB7] =	sst s10  }
0x35: {  	s10 =	sld [smem:$0x3FB6];
	_ =	sdelay $0x3  }
0x36: {  	p1 =	seq.s32 s10, $0x1;
	s10 =	sld [smem:$0x3FB7];
	_ =	sdelay $0x3  }
0x37: {  	[smem:$0x3FB7] =	sst s10  }
0x38: {  	s10 =	sld [smem:$0x3FB8]  }
0x39: {  	_ = 	snop;
	(pc) =	sbr.ind lr, $3  }
0x3a: {  	_ = 	snop  }
0x3b: {  	_ = 	snop  }
0x3c: {  	p2 =	seq.s32 s10, $0x1;
	s10 =	sld [smem:$0x3FB7]  }
0x3d: {  	_ =	shalt  }
0x3e: {  	_ =	shalt  }
0x3f: {  	_ =	shalt  }
0x40: {  	_ =	shalt  }
0x41: {  	_ =	shalt  }
0x42: {  	_ =	shalt  }
0x43: {  	_ =	shalt  }
0x44: {  	_ =	shalt  }
0x45: {  	_ =	shalt  }
0x46: {  	_ =	shalt  }
0x47: {  	_ =	shalt  }
0x48: {  	_ =	shalt  }
0x49: {  	_ =	shalt  }
0x4a: {  	_ =	shalt  }
0x4b: {  	_ =	shalt  }
0x4c: {  	_ =	shalt  }
0x4d: {  	_ =	shalt  }
0x4e: {  	_ =	shalt  }
0x4f: {  	_ =	shalt  }
0x50: {  	_ =	shalt  }
0x51: {  	_ =	shalt  }
0x52: {  	_ =	shalt  }
0x53: {  	_ =	shalt  }
0x54: {  	_ =	shalt  }
0x55: {  	_ =	shalt  }
0x56: {  	_ =	shalt  }
0x57: {  	_ =	shalt  }
0x58: {  	_ =	shalt  }
0x59: {  	_ =	shalt  }
0x5a: {  	_ =	shalt  }
0x5b: {  	_ =	shalt  }
0x5c: {  	_ =	shalt  }
0x5d: {  	_ =	shalt  }
0x5e: {  	_ =	shalt  }
0x5f: {  	_ =	shalt  }
0x60: {  	_ =	shalt  }
0x61: {  	_ =	shalt  }
0x62: {  	_ =	shalt  }
0x63: {  	_ =	shalt  }
0x64: {  	_ =	shalt  }
0x65: {  	_ =	shalt  }
0x66: {  	_ =	shalt  }
0x67: {  	_ =	shalt  }
0x68: {  	_ =	shalt  }
0x69: {  	_ =	shalt  }
0x6a: {  	_ =	shalt  }
0x6b: {  	_ =	shalt  }
0x6c: {  	_ =	shalt  }
0x6d: {  	_ =	shalt  }
0x6e: {  	_ =	shalt  }
0x6f: {  	_ =	shalt  }
0x70: {  	_ =	shalt  }
0x71: {  	_ =	shalt  }
0x72: {  	_ =	shalt  }
0x73: {  	_ =	shalt  }
0x74: {  	_ =	shalt  }
0x75: {  	_ =	shalt  }
0x76: {  	_ =	shalt  }
0x77: {  	_ =	shalt  }
0x78: {  	_ =	shalt  }
0x79: {  	_ =	shalt  }
0x7a: {  	_ =	shalt  }
0x7b: {  	_ =	shalt  }
0x7c: {  	_ =	shalt  }
0x7d: {  	_ =	shalt  }
0x7e: {  	_ =	shalt  }
0x7f: {  	_ =	shalt  }
0x80: {  	_ =	shalt  }
0x81: {  	_ =	shalt  }
0x82: {  	_ =	shalt  }
0x83: {  	_ =	shalt  }
0x84: {  	_ =	shalt  }
0x85: {  	_ =	shalt  }
0x86: {  	_ =	shalt  }
0x87: {  	_ =	shalt  }
.Lfunc_end0:
.L_simem_size_0:
called_computation_lowered:
.L_overlay_start_0:
0x88: {  	s2 =	sld [smem:$0x3FD9]  }
0x89: {  	s3 =	sld [smem:$0x3FFE];
	_ =	sdelay $0x1  }
0x8a: {  	s1 =	srdreg.scid  }
0x8b: {  	s0 =	sand.u32 $0x1, s1  }
0x8c: {  	s18 =	sshll.u32 s0, $0xA;
	s2 =	sadd.s32 s3, s2  }
0x8d: {  	s2 =	sadd.s32 s2, s18  }
0x8e: {  	[smem:$0x3FC3] =	sst s2  }
0x8f: {  	_ = 	snop  }
0x90: {  	s2 =	sld [smem:$0x3FC9]  }
0x91: {  	s19 =	sld [smem:$0x3FC8]  }
0x92: {  	s4 =	sld [smem:$0x3FC7]  }
0x93: {  	s5 =	sld [smem:$0x3FC6]  }
0x94: {  	s6 =	sld [smem:$0x3FC5]  }
0x95: {  	s7 =	sld [smem:$0x3FD0];
	(tm) =	ssettm $0x1  }
0x96: {  	s8 =	sld [smem:$0x3FFB];
	_ =	sdelay $0x3  }
0x97: {  	_ =	strace s8  }
0x98: {  	s8 =	sld [smem:$0x3FFC];
	_ =	sdelay $0x3  }
0x99: {  	_ =	strace s8  }
0x9a: {  	s8 =	sld [smem:$0x3FFD];
	_ =	sdelay $0x3  }
0x9b: {  	_ =	strace s8  }
0x9c: {  	_ =	strace $0x8FFFFFFF  }
0x9d: {  	s20 =	sld [smem:$0x3FDB];
	_ =	sdelay $0x1  }
0x9e: {  	s9 =	simm.s32 $_scs_section_size  }
0x9f: {  	s10 =	simm.s32 $_size__tile_overlayer_lowered;
	s11 =	simm.s32 $_tile_overlayer_lowered  }
0xa0: {  	s23 =	simm.s32 $0x1BFF;
	s22 =	sshll.u32 s11, $0x1;
	s8 =	sadd.s32 s9, s20  }
0xa1: {  	s12 =	simm.s32 $0x0;
	s21 =	sshll.u32 s10, $0x1;
	s10 =	sadd.s32 s22, s8  }
0xa2: {  	[timem:s12], [sflag:s23] =	dma.local [hbm:s10], s21  }
0xa3: {  	_ =	swait.ge [sflag:s23], s21  }
0xa4: {  	s9 =	ssub.s32 $0x0, s21;
	[sflag:s23] =	ssyncset.done $0x0  }
0xa5: {  	[sflag:s23] =	ssyncadd.s32 s9;
	_ =	sdelay $0x1  }
0xa6: {  	s24 =	simm.s32 $0x1B8B  }
0xa7: {  	_ =	swait.ge [sflag:s24], $0x1  }
0xa8: {  	[sflag:s24] =	ssyncset.done $0x0  }
0xa9: {  	s25 =	simm.s32 $0x1B8E;
	[sflag:s24] =	ssyncadd.s32 $0xFFFFFFFF  }
0xaa: {  	s26 =	simm.s32 $execute0_lowered;
	[smem:$0x3FD2] =	sst s25  }
0xab: {  	s9 =	sshll.u32 s26, $0x1;
	_ =	strace $0x80000046;
	[dreg:$0x1] =	wrdreg $0xFFFFFFFF  }
0xac: {  	s28 =	simm.s32 $_size_execute0_lowered;
	s8 =	sadd.s32 s8, s9;
	[dreg:$0x0] =	wrdreg $0x0  }
0xad: {  	s9 =	sshll.u32 s28, $0x1;
	[dreg:$0x2] =	wrdreg s8  }
0xae: {  	[dreg:$0x3] =	wrdreg s9  }
0xaf: {  	[dreg:$0x4] =	wrdreg $0xC0  }
0xb0: {  	_ =	task [dreg:s12], $0x5FFFF  }
0xb1: {  	[dreg:$0x1] =	wrdreg $0xFFFFFFFF  }
0xb2: {  	[dreg:$0x0] =	wrdreg $0x60  }
0xb3: {  	[dreg:$0x2] =	wrdreg s2  }
0xb4: {  	[dreg:$0x3] =	wrdreg s19  }
0xb5: {  	[dreg:$0x4] =	wrdreg s4  }
0xb6: {  	[dreg:$0x5] =	wrdreg s5  }
0xb7: {  	[dreg:$0x6] =	wrdreg s6  }
0xb8: {  	[dreg:$0x7] =	wrdreg s7  }
0xb9: {  	[dreg:$0x8] =	wrdreg $0x0  }
0xba: {  	[dreg:$0x9] =	wrdreg $0x9  }
0xbb: {  	_ =	task.clear_ibuf [dreg:s12], $0xAFFFF;
	_ =	strace $0x90000046  }
0xbc: {  	s29 =	simm.s32 $0x9;
	_ =	strace $0x80000048  }
0xbd: {  	_ =	swait.ge [sflag:s29], $0x1  }
0xbe: {  	[sflag:s29] =	ssyncadd.s32 $0xFFFFFFFF  }
0xbf: {  	_ =	strace $0x90000048  }
0xc0: {  	_ =	sfence  }
0xc1: {  	s30 =	sld [smem:$0x0];
	_ =	sdelay $0x2  }
0xc2: {  	s31 =	sshll.u32 s1, $0xD;
	s1 =	sshrl.u32 s1, $0x2  }
0xc3: {  	s3 =	sand.u32 $0x4000, s31;
	s1 =	sadd.s32 s1, s30  }
0xc4: {  	s0 =	sor.u32 s3, s0;
	s1 =	sshll.u32 s1, $0x11  }
0xc5: {  	s0 =	sor.u32 s1, s0  }
0xc6: {  	s0 =	sadd.s32 $0x8F2B, s0  }
0xc7: {  	[sflag:s0] =	ssyncadd.remote.s32 $0x1  }
0xc8: {  	_ =	sfence.sel $0xFFFF  }
0xc9: {  	[dreg:$0x0] =	wrdreg $0xFFFFFFFF;
	(pc) =	sbr.abs _section_cstart, $3  }
0xca: {  	[dreg:$0x1] =	wrdreg $0xFFFFFFFF  }
0xcb: {  	_ =	task.clear_ibuf [dreg:s12], $0x2FFFF;
	_ =	strace $0x9FFFFFFF  }
0xcc: {  	(tm) =	ssettm $0x7FFFFFFF  }
0xcd: {  	_ =	shalt  }
tec
execute0_lowered:
.L_overlay_start_1:
0x0: {  	(tag) =	ssettag $0x1  }
0x1: {  	s0 =	rddreg [dreg:$0x0]  }
0x2: {  	s3 =	rddreg [dreg:$0x1]  }
0x3: {  	s4 =	rddreg [dreg:$0x2]  }
0x4: {  	s1 =	srdreg.scid;
	s13 =	stileid.u32  }
0x5: {  	s5 =	rddreg [dreg:$0x3];
	s6 =	sand.u32 $0x1, s1;
	s8 =	smul.u32 $0xC40, s13  }
0x6: {  	s9 =	rddreg [dreg:$0x5];
	s7 =	smul.u32 $0xC400, s6  }
0x7: {  	s2 =	simm.s32 $0x0;
	s1 =	rddreg [dreg:$0x4]  }
0x8: {  	[smem:$0x7FF] =	sst s2;
	s10 =	ssub.s32 $0x2, s6;
	s12 =	sadd.s32 s8, s7  }
0x9: {  	s15 =	sor.u32 $0x2, s6;
	s11 =	sshrl.u32 s10, $0x1;
	s12 =	sshrl.u32 s12, $0x3  }
0xa: {  	s14 =	sadd.s32 $0x620, s8;
	s16 =	smul.u32 $0xC400, s15;
	s20 =	sadd.s32 s0, s12  }
0xb: {  	s10 =	ssub.s32 s10, s11;
	s21 =	sadd.s32 s3, s12;
	[dreg:$0x8] =	wrdreg s20  }
0xc: {  	s7 =	sadd.s32 s7, s14;
	s22 =	sadd.s32 s4, s12;
	[dreg:$0x9] =	wrdreg s21  }
0xd: {  	s7 =	sshrl.u32 s7, $0x3;
	s12 =	sadd.s32 s5, s12;
	[dreg:$0xa] =	wrdreg s22  }
0xe: {  	s11 =	sshll.u32 s13, $0xE;
	s23 =	sadd.s32 s0, s7;
	[dreg:$0xb] =	wrdreg s12  }
0xf: {  	s13 =	sshll.u32 s6, $0x12;
	s25 =	sadd.s32 s3, s7;
	[dreg:$0xc] =	wrdreg s23  }
0x10: {  	s24 =	sadd.s32 s8, s16;
	s26 =	sadd.s32 s4, s7;
	[dreg:$0xd] =	wrdreg s25  }
0x11: {  	s6 =	sshrl.u32 s24, $0x3;
	s7 =	sadd.s32 s5, s7;
	[dreg:$0xe] =	wrdreg s26  }
0x12: {  	[dreg:$0xf] =	wrdreg s7;
	s12 =	sadd.s32 s0, s6  }
0x13: {  	s14 =	sadd.s32 s14, s16;
	s16 =	sadd.s32 s3, s6;
	[dreg:$0x10] =	wrdreg s12  }
0x14: {  	s17 =	sadd.s32 s4, s6;
	[dreg:$0x11] =	wrdreg s16  }
0x15: {  	s7 =	sshrl.u32 s14, $0x3;
	s6 =	sadd.s32 s5, s6;
	[dreg:$0x12] =	wrdreg s17  }
0x16: {  	[dreg:$0x13] =	wrdreg s6;
	s0 =	sadd.s32 s0, s7  }
0x17: {  	s15 =	sshll.u32 s15, $0x12;
	s18 =	sadd.s32 s3, s7;
	[dreg:$0x14] =	wrdreg s0  }
0x18: {  	s20 =	sor.u32 s11, s13;
	s19 =	sadd.s32 s4, s7;
	[dreg:$0x15] =	wrdreg s18  }
0x19: {  	s22 =	sor.u32 s11, s15;
	s21 =	sadd.s32 s5, s7;
	[dreg:$0x16] =	wrdreg s19  }
0x1a: {  	s23 =	sshrl.u32 s22, $0x3;
	[dreg:$0x17] =	wrdreg s21;
	s0 =	sshrl.u32 s20, $0x3  }
0x1b: {  	s21 =	rddreg [dreg:$0x6];
	s20 =	sadd.s32 s9, s0;
	s0 =	sadd.s32 s9, s23  }
0x1c: {  	s24 =	smax.u32 s10, $0x1;
	s23 =	sadd.s32 s11, s21;
	[dreg:$0x18] =	wrdreg s0  }
0x1d: {  	s25 =	sadd.s32 $0x1000, s23;
	_ =	strace $0x80000047;
	[dreg:$0x19] =	wrdreg s24  }
0x1e: {  	s26 =	sadd.s32 $0x2000, s23;
	[dreg:$0x1a] =	wrdreg s25  }
0x1f: {  	s3 =	sadd.s32 $0x3000, s23;
	[dreg:$0x1b] =	wrdreg s26  }
0x20: {  	s4 =	sadd.s32 $0x41000, s23;
	[dreg:$0x1c] =	wrdreg s3  }
0x21: {  	s5 =	sadd.s32 $0x42000, s23;
	[dreg:$0x1d] =	wrdreg s4  }
0x22: {  	s6 =	sadd.s32 $0x43000, s23;
	[dreg:$0x1e] =	wrdreg s5  }
0x23: {  	s7 =	sadd.s32 $0x81000, s23;
	[dreg:$0x1f] =	wrdreg s6  }
0x24: {  	s8 =	sadd.s32 $0x82000, s23;
	[smem:$0x7EF] =	sst s7  }
0x25: {  	s9 =	sadd.s32 $0x83000, s23;
	[smem:$0x7F0] =	sst s8  }
0x26: {  	s10 =	sadd.s32 $0xC1000, s23;
	[smem:$0x7F1] =	sst s9  }
0x27: {  	s28 =	simm.s32 $0x2;
	s11 =	sadd.s32 $0xC2000, s23;
	[smem:$0x7F2] =	sst s10  }
0x28: {  	s30 =	simm.s32 $0x18000;
	s12 =	sadd.s32 $0xC3000, s23;
	[smem:$0x7F3] =	sst s11  }
0x29: {  	s31 =	simm.s32 $0x18680;
	s14 =	sadd.s32 $0x101000, s23;
	[smem:$0x7F4] =	sst s12  }
0x2a: {  	v0 =	vmov s13;
	s13 =	simm.s32 $0x1AD80;
	s16 =	sadd.s32 $0x102000, s23;
	[smem:$0x7F5] =	sst s14  }
0x2b: {  	v1 =	vmov s15;
	s15 =	simm.s32 $0x1C780;
	s17 =	sadd.s32 $0x103000, s23;
	[smem:$0x7F6] =	sst s16  }
0x2c: {  	s29 =	sadd.s32 $0x40000, s23;
	s18 =	sadd.s32 $0x141000, s23;
	[smem:$0x7F7] =	sst s17  }
0x2d: {  	s0 =	sadd.s32 $0x80000, s23;
	s19 =	sadd.s32 $0x142000, s23;
	[smem:$0x7F8] =	sst s18  }
0x2e: {  	s22 =	sadd.s32 $0x143000, s23;
	s6 =	sadd.s32 $0xC0000, s23;
	[smem:$0x7F9] =	sst s19  }
0x2f: {  	s10 =	sadd.s32 $0x100000, s23;
	s14 =	sadd.s32 $0x140000, s23;
	[smem:$0x7FA] =	sst s22  }
0x30: {  	s24 =	sadd.s32 $0x20000, s20;
	s25 =	sadd.s32 $0x40000, s20;
	s26 =	sadd.s32 $0x30000, s20  }
0x31: {  	s19 =	simm.s32 $0x18D00;
	s3 =	simm.s32 $0x19380;
	s4 =	simm.s32 $0x620  }
0x32: {  	s5 =	simm.s32 $0x19A00;
	s7 =	simm.s32 $0x1A080;
	s8 =	simm.s32 $0x1  }
0x33: {  	s9 =	simm.s32 $0x1BA80;
	s11 =	simm.s32 $0x1A700;
	[smem:$0x7FB] =	sst s24  }
0x34: {  	s12 =	simm.s32 $0x1C100;
	s16 =	simm.s32 $0x1B400;
	[smem:$0x7FC] =	sst s25  }
0x35: {  	v2 =	vimm.f32 $0.0e+00;
	[smem:$0x7FD] =	sst s26;
	s25 =	sadd.s32 $0x50000, s20;
	s26 =	simm.s32 $0x1CE00  }
.LBB2_1:
0x36: {  	s17 =	simm.s32 $0x40;
	s18 =	simm.s32 $0x0  }
.LBB2_2:
0x37: {  	p0 =	sne.s32 s17, $0x3FC0;
	[tilespmem:s18+$0x1CE00] =	vst v2;
	s18 =	smov.u32 s17;
	s17 =	sadd.s32 $0x40, s17  }
.Ltmp0:
0x38: {  	(pc) =	sbr.rel @p0 .LBB2_2-.Ltmp0, $2  }
0x39: {  	_ =	sdelay $0x2  }
0x3a: {  	s18 =	sshra.s32 s18, $0x2  }
0x3b: {  	[tilespmem:s18+$0x1CE00] =	vst v2  }
0x3c: {  	[spmem:s23] =	stream.linear.scatter [tilespmem:s26], [sflag:$0x2], $0x1000, $0x38;
	[tilespmem:$0x1DE00] =	vst v63  }
0x3d: {  	_ =	swait.ge [sflag:s28], $0x1000  }
0x3e: {  	[sflag:s28] =	ssyncset.done $0x0  }
0x3f: {  	s17 =	rddreg [dreg:$0x1a];
	[sflag:s28] =	ssyncadd.s32 $0xFFFFF000  }
0x40: {  	[spmem:s17] =	stream.linear.scatter [tilespmem:s26], [sflag:$0x2], $0x1000, $0x38;
	[tilespmem:$0x1DE00] =	vst v63  }
0x41: {  	_ =	swait.ge [sflag:s28], $0x1000  }
0x42: {  	[sflag:s28] =	ssyncset.done $0x0  }
0x43: {  	s24 =	rddreg [dreg:$0x1b];
	[sflag:s28] =	ssyncadd.s32 $0xFFFFF000  }
0x44: {  	[spmem:s24] =	stream.linear.scatter [tilespmem:s26], [sflag:$0x2], $0x1000, $0x38;
	[tilespmem:$0x1DE00] =	vst v63  }
0x45: {  	_ =	swait.ge [sflag:s28], $0x1000  }
0x46: {  	[sflag:s28] =	ssyncset.done $0x0  }
0x47: {  	s18 =	rddreg [dreg:$0x1c];
	[sflag:s28] =	ssyncadd.s32 $0xFFFFF000  }
0x48: {  	[spmem:s18] =	stream.linear.scatter [tilespmem:s26], [sflag:$0x2], $0x1000, $0x38;
	[tilespmem:$0x1DE00] =	vst v63  }
0x49: {  	_ =	swait.ge [sflag:s28], $0x1000  }
0x4a: {  	[sflag:s28] =	ssyncset.done $0x0  }
0x4b: {  	[sflag:s28] =	ssyncadd.s32 $0xFFFFF000  }
0x4c: {  	[spmem:s29] =	stream.linear.scatter [tilespmem:s26], [sflag:$0x2], $0x1000, $0x38;
	[tilespmem:$0x1DE00] =	vst v63  }
0x4d: {  	_ =	swait.ge [sflag:s28], $0x1000  }
0x4e: {  	[sflag:s28] =	ssyncset.done $0x0  }
0x4f: {  	s22 =	rddreg [dreg:$0x1d];
	[sflag:s28] =	ssyncadd.s32 $0xFFFFF000  }
0x50: {  	[spmem:s22] =	stream.linear.scatter [tilespmem:s26], [sflag:$0x2], $0x1000, $0x38;
	[tilespmem:$0x1DE00] =	vst v63  }
0x51: {  	_ =	swait.ge [sflag:s28], $0x1000  }
0x52: {  	[sflag:s28] =	ssyncset.done $0x0  }
0x53: {  	s24 =	rddreg [dreg:$0x1e];
	[sflag:s28] =	ssyncadd.s32 $0xFFFFF000  }
0x54: {  	[spmem:s24] =	stream.linear.scatter [tilespmem:s26], [sflag:$0x2], $0x1000, $0x38;
	[tilespmem:$0x1DE00] =	vst v63  }
0x55: {  	_ =	swait.ge [sflag:s28], $0x1000  }
0x56: {  	[sflag:s28] =	ssyncset.done $0x0  }
0x57: {  	s18 =	rddreg [dreg:$0x1f];
	[sflag:s28] =	ssyncadd.s32 $0xFFFFF000  }
0x58: {  	[spmem:s18] =	stream.linear.scatter [tilespmem:s26], [sflag:$0x2], $0x1000, $0x38;
	[tilespmem:$0x1DE00] =	vst v63  }
0x59: {  	_ =	swait.ge [sflag:s28], $0x1000  }
0x5a: {  	[sflag:s28] =	ssyncset.done $0x0  }
0x5b: {  	[sflag:s28] =	ssyncadd.s32 $0xFFFFF000  }
0x5c: {  	[spmem:s0] =	stream.linear.scatter [tilespmem:s26], [sflag:$0x2], $0x1000, $0x38;
	[tilespmem:$0x1DE00] =	vst v63  }
0x5d: {  	_ =	swait.ge [sflag:s28], $0x1000  }
0x5e: {  	s22 =	sld [smem:$0x7EF]  }
0x5f: {  	[sflag:s28] =	ssyncset.done $0x0  }
0x60: {  	[sflag:s28] =	ssyncadd.s32 $0xFFFFF000  }
0x61: {  	[spmem:s22] =	stream.linear.scatter [tilespmem:s26], [sflag:$0x2], $0x1000, $0x38;
	[tilespmem:$0x1DE00] =	vst v63  }
0x62: {  	_ =	swait.ge [sflag:s28], $0x1000  }
0x63: {  	s24 =	sld [smem:$0x7F0]  }
0x64: {  	[sflag:s28] =	ssyncset.done $0x0  }
0x65: {  	[sflag:s28] =	ssyncadd.s32 $0xFFFFF000  }
0x66: {  	[spmem:s24] =	stream.linear.scatter [tilespmem:s26], [sflag:$0x2], $0x1000, $0x38;
	[tilespmem:$0x1DE00] =	vst v63  }
0x67: {  	_ =	swait.ge [sflag:s28], $0x1000  }
0x68: {  	s18 =	sld [smem:$0x7F1]  }
0x69: {  	[sflag:s28] =	ssyncset.done $0x0  }
0x6a: {  	[sflag:s28] =	ssyncadd.s32 $0xFFFFF000  }
0x6b: {  	[spmem:s18] =	stream.linear.scatter [tilespmem:s26], [sflag:$0x2], $0x1000, $0x38;
	[tilespmem:$0x1DE00] =	vst v63  }
0x6c: {  	_ =	swait.ge [sflag:s28], $0x1000  }
0x6d: {  	[sflag:s28] =	ssyncset.done $0x0  }
0x6e: {  	[sflag:s28] =	ssyncadd.s32 $0xFFFFF000  }
0x6f: {  	[spmem:s6] =	stream.linear.scatter [tilespmem:s26], [sflag:$0x2], $0x1000, $0x38;
	[tilespmem:$0x1DE00] =	vst v63  }
0x70: {  	_ =	swait.ge [sflag:s28], $0x1000  }
0x71: {  	s22 =	sld [smem:$0x7F2]  }
0x72: {  	[sflag:s28] =	ssyncset.done $0x0  }
0x73: {  	[sflag:s28] =	ssyncadd.s32 $0xFFFFF000  }
0x74: {  	[spmem:s22] =	stream.linear.scatter [tilespmem:s26], [sflag:$0x2], $0x1000, $0x38;
	[tilespmem:$0x1DE00] =	vst v63  }
0x75: {  	_ =	swait.ge [sflag:s28], $0x1000  }
0x76: {  	s24 =	sld [smem:$0x7F3]  }
0x77: {  	[sflag:s28] =	ssyncset.done $0x0  }
0x78: {  	[sflag:s28] =	ssyncadd.s32 $0xFFFFF000  }
0x79: {  	[spmem:s24] =	stream.linear.scatter [tilespmem:s26], [sflag:$0x2], $0x1000, $0x38;
	[tilespmem:$0x1DE00] =	vst v63  }
0x7a: {  	_ =	swait.ge [sflag:s28], $0x1000  }
0x7b: {  	s18 =	sld [smem:$0x7F4]  }
0x7c: {  	[sflag:s28] =	ssyncset.done $0x0  }
0x7d: {  	[sflag:s28] =	ssyncadd.s32 $0xFFFFF000  }
0x7e: {  	[spmem:s18] =	stream.linear.scatter [tilespmem:s26], [sflag:$0x2], $0x1000, $0x38;
	[tilespmem:$0x1DE00] =	vst v63  }
0x7f: {  	_ =	swait.ge [sflag:s28], $0x1000  }
0x80: {  	[sflag:s28] =	ssyncset.done $0x0  }
0x81: {  	[sflag:s28] =	ssyncadd.s32 $0xFFFFF000  }
0x82: {  	[spmem:s10] =	stream.linear.scatter [tilespmem:s26], [sflag:$0x2], $0x1000, $0x38;
	[tilespmem:$0x1DE00] =	vst v63  }
0x83: {  	_ =	swait.ge [sflag:s28], $0x1000  }
0x84: {  	s22 =	sld [smem:$0x7F5]  }
0x85: {  	[sflag:s28] =	ssyncset.done $0x0  }
0x86: {  	[sflag:s28] =	ssyncadd.s32 $0xFFFFF000  }
0x87: {  	[spmem:s22] =	stream.linear.scatter [tilespmem:s26], [sflag:$0x2], $0x1000, $0x38;
	[tilespmem:$0x1DE00] =	vst v63  }
0x88: {  	_ =	swait.ge [sflag:s28], $0x1000  }
0x89: {  	s24 =	sld [smem:$0x7F6]  }
0x8a: {  	[sflag:s28] =	ssyncset.done $0x0  }
0x8b: {  	[sflag:s28] =	ssyncadd.s32 $0xFFFFF000  }
0x8c: {  	[spmem:s24] =	stream.linear.scatter [tilespmem:s26], [sflag:$0x2], $0x1000, $0x38;
	[tilespmem:$0x1DE00] =	vst v63  }
0x8d: {  	_ =	swait.ge [sflag:s28], $0x1000  }
0x8e: {  	s18 =	sld [smem:$0x7F7]  }
0x8f: {  	[sflag:s28] =	ssyncset.done $0x0  }
0x90: {  	[sflag:s28] =	ssyncadd.s32 $0xFFFFF000  }
0x91: {  	[spmem:s18] =	stream.linear.scatter [tilespmem:s26], [sflag:$0x2], $0x1000, $0x38;
	[tilespmem:$0x1DE00] =	vst v63  }
0x92: {  	_ =	swait.ge [sflag:s28], $0x1000  }
0x93: {  	[sflag:s28] =	ssyncset.done $0x0  }
0x94: {  	[sflag:s28] =	ssyncadd.s32 $0xFFFFF000  }
0x95: {  	[spmem:s14] =	stream.linear.scatter [tilespmem:s26], [sflag:$0x2], $0x1000, $0x38;
	[tilespmem:$0x1DE00] =	vst v63  }
0x96: {  	_ =	swait.ge [sflag:s28], $0x1000  }
0x97: {  	s22 =	sld [smem:$0x7F8]  }
0x98: {  	[sflag:s28] =	ssyncset.done $0x0  }
0x99: {  	[sflag:s28] =	ssyncadd.s32 $0xFFFFF000  }
0x9a: {  	[spmem:s22] =	stream.linear.scatter [tilespmem:s26], [sflag:$0x2], $0x1000, $0x38;
	[tilespmem:$0x1DE00] =	vst v63  }
0x9b: {  	_ =	swait.ge [sflag:s28], $0x1000  }
0x9c: {  	s24 =	sld [smem:$0x7F9]  }
0x9d: {  	[sflag:s28] =	ssyncset.done $0x0  }
0x9e: {  	[sflag:s28] =	ssyncadd.s32 $0xFFFFF000  }
0x9f: {  	[spmem:s24] =	stream.linear.scatter [tilespmem:s26], [sflag:$0x2], $0x1000, $0x38;
	[tilespmem:$0x1DE00] =	vst v63  }
0xa0: {  	_ =	swait.ge [sflag:s28], $0x1000  }
0xa1: {  	s18 =	sld [smem:$0x7FA]  }
0xa2: {  	[sflag:s28] =	ssyncset.done $0x0  }
0xa3: {  	[sflag:s28] =	ssyncadd.s32 $0xFFFFF000  }
0xa4: {  	[spmem:s18] =	stream.linear.scatter [tilespmem:s26], [sflag:$0x2], $0x1000, $0x38;
	[tilespmem:$0x1DE00] =	vst v63  }
0xa5: {  	_ =	swait.ge [sflag:s28], $0x1000  }
0xa6: {  	[sflag:s28] =	ssyncset.done $0x0  }
0xa7: {  	[sflag:s28] =	ssyncadd.s32 $0xFFFFF000  }
0xa8: {  	[bflag:$0x0] =	sbarrier.arrive $0xFFFF  }
0xa9: {  	s17 =	simm.s32 $0x0;
	s22 =	rddreg [dreg:$0x8]  }
0xaa: {  	[tilespmem:s30], [sflag:$0x2] =	stream.linear.gather [hbm4b:s22+s17], $0x620, $0x38;
	[tilespmem:$0x1DE00] =	vst v63  }
0xab: {  	_ =	swait.ge [sflag:s28], $0x620  }
0xac: {  	[sflag:s28] =	ssyncset.done $0x0  }
0xad: {  	s24 =	rddreg [dreg:$0x9];
	[sflag:s28] =	ssyncadd.s32 $0xFFFFF9E0  }
0xae: {  	[tilespmem:s31], [sflag:$0x2] =	stream.linear.gather [hbm4b:s24+s17], $0x620, $0x38;
	[tilespmem:$0x1DE00] =	vst v63  }
0xaf: {  	_ =	swait.ge [sflag:s28], $0x620  }
0xb0: {  	[sflag:s28] =	ssyncset.done $0x0  }
0xb1: {  	s22 =	rddreg [dreg:$0xa];
	[sflag:s28] =	ssyncadd.s32 $0xFFFFF9E0  }
0xb2: {  	[tilespmem:s19], [sflag:$0x2] =	stream.linear.gather [hbm4b:s22+s17], $0x620, $0x38;
	[tilespmem:$0x1DE00] =	vst v63  }
0xb3: {  	_ =	swait.ge [sflag:s28], $0x620  }
0xb4: {  	[sflag:s28] =	ssyncset.done $0x0  }
0xb5: {  	s24 =	rddreg [dreg:$0xb];
	[sflag:s28] =	ssyncadd.s32 $0xFFFFF9E0  }
0xb6: {  	[tilespmem:s3], [sflag:$0x2] =	stream.linear.gather [hbm4b:s24+s17], $0x620, $0x38;
	[tilespmem:$0x1DE00] =	vst v63  }
0xb7: {  	_ =	swait.ge [sflag:s28], $0x620  }
0xb8: {  	[sflag:s28] =	ssyncset.done $0x0  }
0xb9: {  	s17 =	simm.s32 $0x0;
	[sflag:s28] =	ssyncadd.s32 $0xFFFFF9E0  }
0xba: {  	s18 =	simm.s32 $0x40;
	v3 =	vld [tilespmem:s17+$0x18000]  }
.LBB2_4:
0xbb: {  	p0 =	sne.s32 s18, $0x1840  }
.Ltmp1:
0xbc: {  	_ = 	snop;
	(pc) =	sbr.rel @p0 .LBB2_4-.Ltmp1, $3  }
0xbd: {  	_ =	sdelay $0x1  }
0xbe: {  	s22 =	sshra.s32 s18, $0x2;
	s18 =	sadd.s32 $0x40, s18;
	v4 =	vadd.s32 v0, v3  }
0xbf: {  	v3 =	vld [tilespmem:s22+$0x18000];
	[tilespmem:s17+$0x19A00] =	vst v4;
	s17 =	smov.u32 s22  }
0xc0: {  	_ =	sdelay $0x3  }
0xc1: {  	v3 =	vadd.s32 v0, v3  }
0xc2: {  	[tilespmem:s17+$0x19A00] =	vst v3  }
0xc3: {  	[tilespmem:s7], [sflag:$0x1] =	stream.indirect.gather [hbm4b:s1+s4], $0x1, s5, s4, $0xb8;
	[tilespmem:$0x1DE00] =	vst v63  }
0xc4: {  	_ =	swait.ge [sflag:s8], $0x620  }
0xc5: {  	[sflag:s8] =	ssyncset.done $0x0  }
0xc6: {  	s18 =	simm.s32 $0x0;
	[sflag:s8] =	ssyncadd.s32 $0xFFFFF9E0  }
0xc7: {  	v3 =	vld [tilespmem:s18+$0x1A080]  }
0xc8: {  	v5 =	vld [tilespmem:s18+$0x18680];
	_ =	sdelay $0x1  }
0xc9: {  	v8 =	vld [tilespmem:s18+$0x18000]  }
0xca: {  	v7 =	vld [tilespmem:s18+$0x18D00]  }
0xcb: {  	s17 =	simm.s32 $0x10;
	v9 =	vld [tilespmem:s18+$0x19380];
	v10 =	vadd.f32 $-9.999999970e-07, v3  }
0xcc: {  	v6 =	vld [tilespmem:s17+$0x1A080];
	vm0 =	vlt.f32 v5, $-Inf;
	vm1 =	vgt.f32 v5, $-Inf  }
0xcd: {  	v4 =	vld [tilespmem:s17+$0x18680];
	vm0 =	vmor vm1, vm0;
	vm15 =	vge.f32 v5, v10  }
0xce: {  	v3 =	vld [tilespmem:s17+$0x18D00];
	[tilespmem:s18+$0x1BA80] =	vst v8;
	v10 =	vadd.s32 $0x40000, v8;
	vm0 =	vmand vm0, vm15  }
0xcf: {  	v5 =	vld [tilespmem:s17+$0x18000];
	[tilespmem:s18+$0x1C100] =	vst v10;
	v11 =	vsel vm0, $0x3F800000, v2  }
0xd0: {  	s22 =	simm.s32 $0x80;
	v8 =	vadd.s32 $0x80000, v8;
	v7 =	vmul.f32 v11, v7;
	v9 =	vmul.f32 v11, v9;
	[tilespmem:s18+$0x1B400] =	vst v11  }
.LBB2_6:
0xd1: {  	s24 =	sshra.s32 s22, $0x2;
	p0 =	sne.s32 s22, $0x1840;
	s22 =	sadd.s32 $0x40, s22;
	v10 =	vadd.f32 $-9.999999970e-07, v6;
	v11 =	vld [tilespmem:s17+$0x19380];
	[tilespmem:s18+$0x1C780] =	vst v8  }
.Ltmp2:
0xd2: {  	v6 =	vld [tilespmem:s24+$0x1A080];
	vm0 =	vlt.f32 v4, $-Inf;
	vm1 =	vgt.f32 v4, $-Inf;
	[tilespmem:s18+$0x1AD80] =	vst v9;
	(pc) =	sbr.rel @p0 .LBB2_6-.Ltmp2, $4  }
0xd3: {  	vm0 =	vmor vm1, vm0;
	vm1 =	vge.f32 v4, v10;
	v4 =	vld [tilespmem:s24+$0x18680];
	[tilespmem:s18+$0x1A700] =	vst v7;
	v7 =	vmov v3;
	s18 =	smov.u32 s17;
	s17 =	smov.u32 s24  }
0xd4: {  	v3 =	vld [tilespmem:s17+$0x18D00];
	vm0 =	vmand vm0, vm1;
	[tilespmem:s18+$0x1BA80] =	vst v5;
	v9 =	vadd.s32 $0x40000, v5;
	v8 =	vadd.s32 $0x80000, v5  }
0xd5: {  	v5 =	vld [tilespmem:s17+$0x18000];
	v10 =	vsel vm0, $0x3F800000, v2;
	[tilespmem:s18+$0x1C100] =	vst v9  }
0xd6: {  	v7 =	vmul.f32 v10, v7;
	v9 =	vmul.f32 v10, v11;
	[tilespmem:s18+$0x1B400] =	vst v10  }
0xd7: {  	v10 =	vld [tilespmem:s17+$0x19380];
	v6 =	vadd.f32 $-9.999999970e-07, v6;
	[tilespmem:s18+$0x1C780] =	vst v8  }
0xd8: {  	vm0 =	vlt.f32 v4, $-Inf;
	vm1 =	vgt.f32 v4, $-Inf;
	[tilespmem:s18+$0x1AD80] =	vst v9  }
0xd9: {  	[tilespmem:s18+$0x1A700] =	vst v7;
	vm0 =	vmor vm1, vm0;
	vm15 =	vge.f32 v4, v6  }
0xda: {  	vm0 =	vmand vm0, vm15;
	[tilespmem:s17+$0x1BA80] =	vst v5;
	v4 =	vadd.s32 $0x40000, v5  }
0xdb: {  	v63 =	vsel vm0, $0x3F800000, v2;
	[tilespmem:s17+$0x1C100] =	vst v4  }
0xdc: {  	v4 =	vadd.s32 $0x80000, v5;
	v5 =	vmul.f32 v63, v10;
	[tilespmem:s17+$0x1B400] =	vst v63  }
0xdd: {  	v3 =	vmul.f32 v63, v3;
	[tilespmem:s17+$0x1C780] =	vst v4  }
0xde: {  	[tilespmem:s17+$0x1AD80] =	vst v5  }
0xdf: {  	[tilespmem:s17+$0x1A700] =	vst v3  }
0xe0: {  	[spmem:s21] =	stream.indirect.scatter.add.f32 [tilespmem:s11], [sflag:$0x2], $0x1, s9, s4, $0xb8;
	[tilespmem:$0x1DE00] =	vst v63  }
0xe1: {  	_ =	swait.ge [sflag:s28], $0x620  }
0xe2: {  	[sflag:s28] =	ssyncset.done $0x0  }
0xe3: {  	[sflag:s28] =	ssyncadd.s32 $0xFFFFF9E0  }
0xe4: {  	[spmem:s21] =	stream.indirect.scatter.add.f32 [tilespmem:s13], [sflag:$0x2], $0x1, s12, s4, $0xb8;
	[tilespmem:$0x1DE00] =	vst v63  }
0xe5: {  	_ =	swait.ge [sflag:s28], $0x620  }
0xe6: {  	[sflag:s28] =	ssyncset.done $0x0  }
0xe7: {  	[sflag:s28] =	ssyncadd.s32 $0xFFFFF9E0  }
0xe8: {  	[spmem:s21] =	stream.indirect.scatter.add.f32 [tilespmem:s16], [sflag:$0x2], $0x1, s15, s4, $0xb8;
	[tilespmem:$0x1DE00] =	vst v63  }
0xe9: {  	_ =	swait.ge [sflag:s28], $0x620  }
0xea: {  	[sflag:s28] =	ssyncset.done $0x0  }
0xeb: {  	s17 =	simm.s32 $0x0;
	s22 =	rddreg [dreg:$0xc];
	[sflag:s28] =	ssyncadd.s32 $0xFFFFF9E0  }
0xec: {  	[tilespmem:s30], [sflag:$0x2] =	stream.linear.gather [hbm4b:s22+s17], $0x620, $0x38;
	[tilespmem:$0x1DE00] =	vst v63  }
0xed: {  	_ =	swait.ge [sflag:s28], $0x620  }
0xee: {  	[sflag:s28] =	ssyncset.done $0x0  }
0xef: {  	s24 =	rddreg [dreg:$0xd];
	[sflag:s28] =	ssyncadd.s32 $0xFFFFF9E0  }
0xf0: {  	[tilespmem:s31], [sflag:$0x2] =	stream.linear.gather [hbm4b:s24+s17], $0x620, $0x38;
	[tilespmem:$0x1DE00] =	vst v63  }
0xf1: {  	_ =	swait.ge [sflag:s28], $0x620  }
0xf2: {  	[sflag:s28] =	ssyncset.done $0x0  }
0xf3: {  	s22 =	rddreg [dreg:$0xe];
	[sflag:s28] =	ssyncadd.s32 $0xFFFFF9E0  }
0xf4: {  	[tilespmem:s19], [sflag:$0x2] =	stream.linear.gather [hbm4b:s22+s17], $0x620, $0x38;
	[tilespmem:$0x1DE00] =	vst v63  }
0xf5: {  	_ =	swait.ge [sflag:s28], $0x620  }
0xf6: {  	[sflag:s28] =	ssyncset.done $0x0  }
0xf7: {  	s24 =	rddreg [dreg:$0xf];
	[sflag:s28] =	ssyncadd.s32 $0xFFFFF9E0  }
0xf8: {  	[tilespmem:s3], [sflag:$0x2] =	stream.linear.gather [hbm4b:s24+s17], $0x620, $0x38;
	[tilespmem:$0x1DE00] =	vst v63  }
0xf9: {  	_ =	swait.ge [sflag:s28], $0x620  }
0xfa: {  	[sflag:s28] =	ssyncset.done $0x0  }
0xfb: {  	s17 =	simm.s32 $0x0;
	[sflag:s28] =	ssyncadd.s32 $0xFFFFF9E0  }
0xfc: {  	s18 =	simm.s32 $0x40;
	v3 =	vld [tilespmem:s17+$0x18000]  }
.LBB2_8:
0xfd: {  	p0 =	sne.s32 s18, $0x1840  }
.Ltmp3:
0xfe: {  	_ = 	snop;
	(pc) =	sbr.rel @p0 .LBB2_8-.Ltmp3, $3  }
0xff: {  	_ =	sdelay $0x1  }
0x100: {  	s22 =	sshra.s32 s18, $0x2;
	s18 =	sadd.s32 $0x40, s18;
	v4 =	vadd.s32 v0, v3  }
0x101: {  	v3 =	vld [tilespmem:s22+$0x18000];
	[tilespmem:s17+$0x19A00] =	vst v4;
	s17 =	smov.u32 s22  }
0x102: {  	_ =	sdelay $0x3  }
0x103: {  	v3 =	vadd.s32 v0, v3  }
0x104: {  	[tilespmem:s17+$0x19A00] =	vst v3  }
0x105: {  	[tilespmem:s7], [sflag:$0x1] =	stream.indirect.gather [hbm4b:s1+s4], $0x1, s5, s4, $0xb8;
	[tilespmem:$0x1DE00] =	vst v63  }
0x106: {  	_ =	swait.ge [sflag:s8], $0x620  }
0x107: {  	[sflag:s8] =	ssyncset.done $0x0  }
0x108: {  	s18 =	simm.s32 $0x0;
	[sflag:s8] =	ssyncadd.s32 $0xFFFFF9E0  }
0x109: {  	v3 =	vld [tilespmem:s18+$0x1A080]  }
0x10a: {  	v5 =	vld [tilespmem:s18+$0x18680];
	_ =	sdelay $0x1  }
0x10b: {  	v8 =	vld [tilespmem:s18+$0x18000]  }
0x10c: {  	v7 =	vld [tilespmem:s18+$0x18D00]  }
0x10d: {  	s17 =	simm.s32 $0x10;
	v9 =	vld [tilespmem:s18+$0x19380];
	v10 =	vadd.f32 $-9.999999970e-07, v3  }
0x10e: {  	v6 =	vld [tilespmem:s17+$0x1A080];
	vm0 =	vlt.f32 v5, $-Inf;
	vm1 =	vgt.f32 v5, $-Inf  }
0x10f: {  	v4 =	vld [tilespmem:s17+$0x18680];
	vm0 =	vmor vm1, vm0;
	vm15 =	vge.f32 v5, v10  }
0x110: {  	v3 =	vld [tilespmem:s17+$0x18D00];
	[tilespmem:s18+$0x1BA80] =	vst v8;
	v10 =	vadd.s32 $0x40000, v8;
	vm0 =	vmand vm0, vm15  }
0x111: {  	v5 =	vld [tilespmem:s17+$0x18000];
	[tilespmem:s18+$0x1C100] =	vst v10;
	v11 =	vsel vm0, $0x3F800000, v2  }
0x112: {  	s22 =	simm.s32 $0x80;
	v8 =	vadd.s32 $0x80000, v8;
	v7 =	vmul.f32 v11, v7;
	v9 =	vmul.f32 v11, v9;
	[tilespmem:s18+$0x1B400] =	vst v11  }
.LBB2_10:
0x113: {  	s24 =	sshra.s32 s22, $0x2;
	p0 =	sne.s32 s22, $0x1840;
	s22 =	sadd.s32 $0x40, s22;
	v10 =	vadd.f32 $-9.999999970e-07, v6;
	v11 =	vld [tilespmem:s17+$0x19380];
	[tilespmem:s18+$0x1C780] =	vst v8  }
.Ltmp4:
0x114: {  	v6 =	vld [tilespmem:s24+$0x1A080];
	vm0 =	vlt.f32 v4, $-Inf;
	vm1 =	vgt.f32 v4, $-Inf;
	[tilespmem:s18+$0x1AD80] =	vst v9;
	(pc) =	sbr.rel @p0 .LBB2_10-.Ltmp4, $4  }
0x115: {  	vm0 =	vmor vm1, vm0;
	vm1 =	vge.f32 v4, v10;
	v4 =	vld [tilespmem:s24+$0x18680];
	[tilespmem:s18+$0x1A700] =	vst v7;
	v7 =	vmov v3;
	s18 =	smov.u32 s17;
	s17 =	smov.u32 s24  }
0x116: {  	v3 =	vld [tilespmem:s17+$0x18D00];
	vm0 =	vmand vm0, vm1;
	[tilespmem:s18+$0x1BA80] =	vst v5;
	v9 =	vadd.s32 $0x40000, v5;
	v8 =	vadd.s32 $0x80000, v5  }
0x117: {  	v5 =	vld [tilespmem:s17+$0x18000];
	v10 =	vsel vm0, $0x3F800000, v2;
	[tilespmem:s18+$0x1C100] =	vst v9  }
0x118: {  	v7 =	vmul.f32 v10, v7;
	v9 =	vmul.f32 v10, v11;
	[tilespmem:s18+$0x1B400] =	vst v10  }
0x119: {  	v10 =	vld [tilespmem:s17+$0x19380];
	v6 =	vadd.f32 $-9.999999970e-07, v6;
	[tilespmem:s18+$0x1C780] =	vst v8  }
0x11a: {  	vm0 =	vlt.f32 v4, $-Inf;
	vm1 =	vgt.f32 v4, $-Inf;
	[tilespmem:s18+$0x1AD80] =	vst v9  }
0x11b: {  	[tilespmem:s18+$0x1A700] =	vst v7;
	vm0 =	vmor vm1, vm0;
	vm15 =	vge.f32 v4, v6  }
0x11c: {  	vm0 =	vmand vm0, vm15;
	[tilespmem:s17+$0x1BA80] =	vst v5;
	v4 =	vadd.s32 $0x40000, v5  }
0x11d: {  	v63 =	vsel vm0, $0x3F800000, v2;
	[tilespmem:s17+$0x1C100] =	vst v4  }
0x11e: {  	v4 =	vadd.s32 $0x80000, v5;
	v5 =	vmul.f32 v63, v10;
	[tilespmem:s17+$0x1B400] =	vst v63  }
0x11f: {  	v3 =	vmul.f32 v63, v3;
	[tilespmem:s17+$0x1C780] =	vst v4  }
0x120: {  	[tilespmem:s17+$0x1AD80] =	vst v5  }
0x121: {  	[tilespmem:s17+$0x1A700] =	vst v3  }
0x122: {  	[spmem:s21] =	stream.indirect.scatter.add.f32 [tilespmem:s11], [sflag:$0x2], $0x1, s9, s4, $0xb8;
	[tilespmem:$0x1DE00] =	vst v63  }
0x123: {  	_ =	swait.ge [sflag:s28], $0x620  }
0x124: {  	[sflag:s28] =	ssyncset.done $0x0  }
0x125: {  	[sflag:s28] =	ssyncadd.s32 $0xFFFFF9E0  }
0x126: {  	[spmem:s21] =	stream.indirect.scatter.add.f32 [tilespmem:s13], [sflag:$0x2], $0x1, s12, s4, $0xb8;
	[tilespmem:$0x1DE00] =	vst v63  }
0x127: {  	_ =	swait.ge [sflag:s28], $0x620  }
0x128: {  	[sflag:s28] =	ssyncset.done $0x0  }
0x129: {  	[sflag:s28] =	ssyncadd.s32 $0xFFFFF9E0  }
0x12a: {  	[spmem:s21] =	stream.indirect.scatter.add.f32 [tilespmem:s16], [sflag:$0x2], $0x1, s15, s4, $0xb8;
	[tilespmem:$0x1DE00] =	vst v63  }
0x12b: {  	_ =	swait.ge [sflag:s28], $0x620  }
0x12c: {  	[sflag:s28] =	ssyncset.done $0x0  }
0x12d: {  	s17 =	simm.s32 $0x0;
	s22 =	rddreg [dreg:$0x10];
	[sflag:s28] =	ssyncadd.s32 $0xFFFFF9E0  }
0x12e: {  	[tilespmem:s30], [sflag:$0x2] =	stream.linear.gather [hbm4b:s22+s17], $0x620, $0x38;
	[tilespmem:$0x1DE00] =	vst v63  }
0x12f: {  	_ =	swait.ge [sflag:s28], $0x620  }
0x130: {  	[sflag:s28] =	ssyncset.done $0x0  }
0x131: {  	s24 =	rddreg [dreg:$0x11];
	[sflag:s28] =	ssyncadd.s32 $0xFFFFF9E0  }
0x132: {  	[tilespmem:s31], [sflag:$0x2] =	stream.linear.gather [hbm4b:s24+s17], $0x620, $0x38;
	[tilespmem:$0x1DE00] =	vst v63  }
0x133: {  	_ =	swait.ge [sflag:s28], $0x620  }
0x134: {  	[sflag:s28] =	ssyncset.done $0x0  }
0x135: {  	s22 =	rddreg [dreg:$0x12];
	[sflag:s28] =	ssyncadd.s32 $0xFFFFF9E0  }
0x136: {  	[tilespmem:s19], [sflag:$0x2] =	stream.linear.gather [hbm4b:s22+s17], $0x620, $0x38;
	[tilespmem:$0x1DE00] =	vst v63  }
0x137: {  	_ =	swait.ge [sflag:s28], $0x620  }
0x138: {  	[sflag:s28] =	ssyncset.done $0x0  }
0x139: {  	s24 =	rddreg [dreg:$0x13];
	[sflag:s28] =	ssyncadd.s32 $0xFFFFF9E0  }
0x13a: {  	[tilespmem:s3], [sflag:$0x2] =	stream.linear.gather [hbm4b:s24+s17], $0x620, $0x38;
	[tilespmem:$0x1DE00] =	vst v63  }
0x13b: {  	_ =	swait.ge [sflag:s28], $0x620  }
0x13c: {  	[sflag:s28] =	ssyncset.done $0x0  }
0x13d: {  	s17 =	simm.s32 $0x0;
	[sflag:s28] =	ssyncadd.s32 $0xFFFFF9E0  }
0x13e: {  	s18 =	simm.s32 $0x40;
	v3 =	vld [tilespmem:s17+$0x18000]  }
.LBB2_12:
0x13f: {  	p0 =	sne.s32 s18, $0x1840  }
.Ltmp5:
0x140: {  	_ = 	snop;
	(pc) =	sbr.rel @p0 .LBB2_12-.Ltmp5, $3  }
0x141: {  	_ =	sdelay $0x1  }
0x142: {  	s22 =	sshra.s32 s18, $0x2;
	s18 =	sadd.s32 $0x40, s18;
	v4 =	vadd.s32 v1, v3  }
0x143: {  	v3 =	vld [tilespmem:s22+$0x18000];
	[tilespmem:s17+$0x19A00] =	vst v4;
	s17 =	smov.u32 s22  }
0x144: {  	_ =	sdelay $0x3  }
0x145: {  	v3 =	vadd.s32 v1, v3  }
0x146: {  	[tilespmem:s17+$0x19A00] =	vst v3  }
0x147: {  	[tilespmem:s7], [sflag:$0x1] =	stream.indirect.gather [hbm4b:s1+s4], $0x1, s5, s4, $0xb8;
	[tilespmem:$0x1DE00] =	vst v63  }
0x148: {  	_ =	swait.ge [sflag:s8], $0x620  }
0x149: {  	[sflag:s8] =	ssyncset.done $0x0  }
0x14a: {  	s18 =	simm.s32 $0x0;
	[sflag:s8] =	ssyncadd.s32 $0xFFFFF9E0  }
0x14b: {  	v3 =	vld [tilespmem:s18+$0x1A080]  }
0x14c: {  	v4 =	vld [tilespmem:s18+$0x18680];
	_ =	sdelay $0x1  }
0x14d: {  	v7 =	vld [tilespmem:s18+$0x18000]  }
0x14e: {  	v8 =	vld [tilespmem:s18+$0x18D00]  }
0x14f: {  	s17 =	simm.s32 $0x10;
	v10 =	vld [tilespmem:s18+$0x19380];
	v3 =	vadd.f32 $-9.999999970e-07, v3  }
0x150: {  	v6 =	vld [tilespmem:s17+$0x1A080];
	vm0 =	vlt.f32 v4, $-Inf;
	vm1 =	vgt.f32 v4, $-Inf  }
0x151: {  	v5 =	vld [tilespmem:s17+$0x18680];
	vm0 =	vmor vm1, vm0;
	vm15 =	vge.f32 v4, v3  }
0x152: {  	v11 =	vadd.s32 $0xC0000, v7;
	v4 =	vld [tilespmem:s17+$0x18D00];
	vm0 =	vmand vm0, vm15  }
0x153: {  	v9 =	vadd.s32 $0x100000, v7;
	v3 =	vld [tilespmem:s17+$0x18000];
	[tilespmem:s18+$0x1BA80] =	vst v11;
	v12 =	vsel vm0, $0x3F800000, v2  }
0x154: {  	s22 =	simm.s32 $0x80;
	v7 =	vadd.s32 $0x140000, v7;
	v8 =	vmul.f32 v12, v8;
	v10 =	vmul.f32 v12, v10;
	[tilespmem:s18+$0x1B400] =	vst v12  }
.LBB2_14:
0x155: {  	s24 =	sshra.s32 s22, $0x2;
	p0 =	sne.s32 s22, $0x1840;
	s22 =	sadd.s32 $0x40, s22;
	v11 =	vadd.f32 $-9.999999970e-07, v6;
	v12 =	vld [tilespmem:s17+$0x19380];
	[tilespmem:s18+$0x1C100] =	vst v9  }
.Ltmp6:
0x156: {  	v6 =	vld [tilespmem:s24+$0x1A080];
	vm0 =	vlt.f32 v5, $-Inf;
	vm1 =	vgt.f32 v5, $-Inf;
	[tilespmem:s18+$0x1AD80] =	vst v10;
	(pc) =	sbr.rel @p0 .LBB2_14-.Ltmp6, $4  }
0x157: {  	vm0 =	vmor vm1, vm0;
	vm1 =	vge.f32 v5, v11;
	v5 =	vld [tilespmem:s24+$0x18680];
	[tilespmem:s18+$0x1A700] =	vst v8;
	v8 =	vmov v4  }
0x158: {  	v4 =	vld [tilespmem:s24+$0x18D00];
	vm0 =	vmand vm0, vm1;
	v10 =	vadd.s32 $0xC0000, v3;
	v9 =	vadd.s32 $0x100000, v3;
	[tilespmem:s18+$0x1C780] =	vst v7;
	s18 =	smov.u32 s17;
	s17 =	smov.u32 s24  }
0x159: {  	v7 =	vadd.s32 $0x140000, v3;
	v11 =	vsel vm0, $0x3F800000, v2;
	[tilespmem:s18+$0x1BA80] =	vst v10;
	v3 =	vld [tilespmem:s17+$0x18000]  }
0x15a: {  	v8 =	vmul.f32 v11, v8;
	v10 =	vmul.f32 v11, v12;
	[tilespmem:s18+$0x1B400] =	vst v11  }
0x15b: {  	v11 =	vld [tilespmem:s17+$0x19380];
	v6 =	vadd.f32 $-9.999999970e-07, v6;
	[tilespmem:s18+$0x1C100] =	vst v9  }
0x15c: {  	[tilespmem:s18+$0x1C780] =	vst v7;
	vm0 =	vlt.f32 v5, $-Inf;
	vm1 =	vgt.f32 v5, $-Inf  }
0x15d: {  	[tilespmem:s18+$0x1AD80] =	vst v10;
	vm0 =	vmor vm1, vm0;
	vm15 =	vge.f32 v5, v6  }
0x15e: {  	[tilespmem:s18+$0x1A700] =	vst v8;
	vm0 =	vmand vm0, vm15;
	v5 =	vadd.s32 $0xC0000, v3  }
0x15f: {  	v62 =	vsel vm0, $0x3F800000, v2;
	[tilespmem:s17+$0x1BA80] =	vst v5  }
0x160: {  	v5 =	vadd.s32 $0x100000, v3;
	[tilespmem:s17+$0x1B400] =	vst v62  }
0x161: {  	v3 =	vadd.s32 $0x140000, v3;
	v63 =	vmul.f32 v62, v11;
	[tilespmem:s17+$0x1C100] =	vst v5  }
0x162: {  	v4 =	vmul.f32 v62, v4;
	[tilespmem:s17+$0x1C780] =	vst v3  }
0x163: {  	[tilespmem:s17+$0x1AD80] =	vst v63  }
0x164: {  	[tilespmem:s17+$0x1A700] =	vst v4  }
0x165: {  	[spmem:s21] =	stream.indirect.scatter.add.f32 [tilespmem:s11], [sflag:$0x2], $0x1, s9, s4, $0xb8;
	[tilespmem:$0x1DE00] =	vst v63  }
0x166: {  	_ =	swait.ge [sflag:s28], $0x620  }
0x167: {  	[sflag:s28] =	ssyncset.done $0x0  }
0x168: {  	[sflag:s28] =	ssyncadd.s32 $0xFFFFF9E0  }
0x169: {  	[spmem:s21] =	stream.indirect.scatter.add.f32 [tilespmem:s13], [sflag:$0x2], $0x1, s12, s4, $0xb8;
	[tilespmem:$0x1DE00] =	vst v63  }
0x16a: {  	_ =	swait.ge [sflag:s28], $0x620  }
0x16b: {  	[sflag:s28] =	ssyncset.done $0x0  }
0x16c: {  	[sflag:s28] =	ssyncadd.s32 $0xFFFFF9E0  }
0x16d: {  	[spmem:s21] =	stream.indirect.scatter.add.f32 [tilespmem:s16], [sflag:$0x2], $0x1, s15, s4, $0xb8;
	[tilespmem:$0x1DE00] =	vst v63  }
0x16e: {  	_ =	swait.ge [sflag:s28], $0x620  }
0x16f: {  	[sflag:s28] =	ssyncset.done $0x0  }
0x170: {  	s17 =	simm.s32 $0x0;
	s22 =	rddreg [dreg:$0x14];
	[sflag:s28] =	ssyncadd.s32 $0xFFFFF9E0  }
0x171: {  	[tilespmem:s30], [sflag:$0x2] =	stream.linear.gather [hbm4b:s22+s17], $0x620, $0x38;
	[tilespmem:$0x1DE00] =	vst v63  }
0x172: {  	_ =	swait.ge [sflag:s28], $0x620  }
0x173: {  	[sflag:s28] =	ssyncset.done $0x0  }
0x174: {  	s24 =	rddreg [dreg:$0x15];
	[sflag:s28] =	ssyncadd.s32 $0xFFFFF9E0  }
0x175: {  	[tilespmem:s31], [sflag:$0x2] =	stream.linear.gather [hbm4b:s24+s17], $0x620, $0x38;
	[tilespmem:$0x1DE00] =	vst v63  }
0x176: {  	_ =	swait.ge [sflag:s28], $0x620  }
0x177: {  	[sflag:s28] =	ssyncset.done $0x0  }
0x178: {  	s22 =	rddreg [dreg:$0x16];
	[sflag:s28] =	ssyncadd.s32 $0xFFFFF9E0  }
0x179: {  	[tilespmem:s19], [sflag:$0x2] =	stream.linear.gather [hbm4b:s22+s17], $0x620, $0x38;
	[tilespmem:$0x1DE00] =	vst v63  }
0x17a: {  	_ =	swait.ge [sflag:s28], $0x620  }
0x17b: {  	[sflag:s28] =	ssyncset.done $0x0  }
0x17c: {  	s24 =	rddreg [dreg:$0x17];
	[sflag:s28] =	ssyncadd.s32 $0xFFFFF9E0  }
0x17d: {  	[tilespmem:s3], [sflag:$0x2] =	stream.linear.gather [hbm4b:s24+s17], $0x620, $0x38;
	[tilespmem:$0x1DE00] =	vst v63  }
0x17e: {  	_ =	swait.ge [sflag:s28], $0x620  }
0x17f: {  	[sflag:s28] =	ssyncset.done $0x0  }
0x180: {  	s17 =	simm.s32 $0x0;
	[sflag:s28] =	ssyncadd.s32 $0xFFFFF9E0  }
0x181: {  	s18 =	simm.s32 $0x40;
	v3 =	vld [tilespmem:s17+$0x18000]  }
.LBB2_16:
0x182: {  	p0 =	sne.s32 s18, $0x1840  }
.Ltmp7:
0x183: {  	_ = 	snop;
	(pc) =	sbr.rel @p0 .LBB2_16-.Ltmp7, $3  }
0x184: {  	_ =	sdelay $0x1  }
0x185: {  	s22 =	sshra.s32 s18, $0x2;
	s18 =	sadd.s32 $0x40, s18;
	v4 =	vadd.s32 v1, v3  }
0x186: {  	v3 =	vld [tilespmem:s22+$0x18000];
	[tilespmem:s17+$0x19A00] =	vst v4;
	s17 =	smov.u32 s22  }
0x187: {  	_ =	sdelay $0x3  }
0x188: {  	v3 =	vadd.s32 v1, v3  }
0x189: {  	[tilespmem:s17+$0x19A00] =	vst v3  }
0x18a: {  	[tilespmem:s7], [sflag:$0x1] =	stream.indirect.gather [hbm4b:s1+s4], $0x1, s5, s4, $0xb8;
	[tilespmem:$0x1DE00] =	vst v63  }
0x18b: {  	_ =	swait.ge [sflag:s8], $0x620  }
0x18c: {  	[sflag:s8] =	ssyncset.done $0x0  }
0x18d: {  	s18 =	simm.s32 $0x0;
	[sflag:s8] =	ssyncadd.s32 $0xFFFFF9E0  }
0x18e: {  	v3 =	vld [tilespmem:s18+$0x1A080]  }
0x18f: {  	v4 =	vld [tilespmem:s18+$0x18680];
	_ =	sdelay $0x1  }
0x190: {  	v7 =	vld [tilespmem:s18+$0x18000]  }
0x191: {  	v8 =	vld [tilespmem:s18+$0x18D00]  }
0x192: {  	s17 =	simm.s32 $0x10;
	v10 =	vld [tilespmem:s18+$0x19380];
	v3 =	vadd.f32 $-9.999999970e-07, v3  }
0x193: {  	v6 =	vld [tilespmem:s17+$0x1A080];
	vm0 =	vlt.f32 v4, $-Inf;
	vm1 =	vgt.f32 v4, $-Inf  }
0x194: {  	v5 =	vld [tilespmem:s17+$0x18680];
	vm0 =	vmor vm1, vm0;
	vm15 =	vge.f32 v4, v3  }
0x195: {  	v11 =	vadd.s32 $0xC0000, v7;
	v4 =	vld [tilespmem:s17+$0x18D00];
	vm0 =	vmand vm0, vm15  }
0x196: {  	v9 =	vadd.s32 $0x100000, v7;
	v3 =	vld [tilespmem:s17+$0x18000];
	[tilespmem:s18+$0x1BA80] =	vst v11;
	v12 =	vsel vm0, $0x3F800000, v2  }
0x197: {  	s22 =	simm.s32 $0x80;
	v7 =	vadd.s32 $0x140000, v7;
	v8 =	vmul.f32 v12, v8;
	v10 =	vmul.f32 v12, v10;
	[tilespmem:s18+$0x1B400] =	vst v12  }
.LBB2_18:
0x198: {  	s24 =	sshra.s32 s22, $0x2;
	p0 =	sne.s32 s22, $0x1840;
	s22 =	sadd.s32 $0x40, s22;
	v11 =	vadd.f32 $-9.999999970e-07, v6;
	v12 =	vld [tilespmem:s17+$0x19380];
	[tilespmem:s18+$0x1C100] =	vst v9  }
.Ltmp8:
0x199: {  	v6 =	vld [tilespmem:s24+$0x1A080];
	vm0 =	vlt.f32 v5, $-Inf;
	vm1 =	vgt.f32 v5, $-Inf;
	[tilespmem:s18+$0x1AD80] =	vst v10;
	(pc) =	sbr.rel @p0 .LBB2_18-.Ltmp8, $4  }
0x19a: {  	vm0 =	vmor vm1, vm0;
	vm1 =	vge.f32 v5, v11;
	v5 =	vld [tilespmem:s24+$0x18680];
	[tilespmem:s18+$0x1A700] =	vst v8;
	v8 =	vmov v4  }
0x19b: {  	v4 =	vld [tilespmem:s24+$0x18D00];
	vm0 =	vmand vm0, vm1;
	v10 =	vadd.s32 $0xC0000, v3;
	v9 =	vadd.s32 $0x100000, v3;
	[tilespmem:s18+$0x1C780] =	vst v7;
	s18 =	smov.u32 s17;
	s17 =	smov.u32 s24  }
0x19c: {  	v7 =	vadd.s32 $0x140000, v3;
	v11 =	vsel vm0, $0x3F800000, v2;
	[tilespmem:s18+$0x1BA80] =	vst v10;
	v3 =	vld [tilespmem:s17+$0x18000]  }
0x19d: {  	v8 =	vmul.f32 v11, v8;
	v10 =	vmul.f32 v11, v12;
	[tilespmem:s18+$0x1B400] =	vst v11  }
0x19e: {  	v11 =	vld [tilespmem:s17+$0x19380];
	[tilespmem:s18+$0x1C100] =	vst v9  }
0x19f: {  	v6 =	vadd.f32 $-9.999999970e-07, v6;
	[tilespmem:s18+$0x1C780] =	vst v7  }
0x1a0: {  	vm0 =	vlt.f32 v5, $-Inf;
	vm1 =	vgt.f32 v5, $-Inf;
	[tilespmem:s18+$0x1AD80] =	vst v10  }
0x1a1: {  	[tilespmem:s18+$0x1A700] =	vst v8;
	vm0 =	vmor vm1, vm0;
	vm15 =	vge.f32 v5, v6;
	v60 =	vadd.s32 $0xC0000, v3  }
0x1a2: {  	vm0 =	vmand vm0, vm15;
	v62 =	vadd.s32 $0x100000, v3;
	[tilespmem:s17+$0x1BA80] =	vst v60  }
0x1a3: {  	v3 =	vadd.s32 $0x140000, v3;
	v61 =	vsel vm0, $0x3F800000, v2;
	[tilespmem:s17+$0x1C100] =	vst v62  }
0x1a4: {  	[tilespmem:s17+$0x1C780] =	vst v3;
	v63 =	vmul.f32 v61, v11  }
0x1a5: {  	[tilespmem:s17+$0x1B400] =	vst v61;
	v4 =	vmul.f32 v61, v4  }
0x1a6: {  	[tilespmem:s17+$0x1AD80] =	vst v63  }
0x1a7: {  	[tilespmem:s17+$0x1A700] =	vst v4  }
0x1a8: {  	[spmem:s21] =	stream.indirect.scatter.add.f32 [tilespmem:s11], [sflag:$0x2], $0x1, s9, s4, $0xb8;
	[tilespmem:$0x1DE00] =	vst v63  }
0x1a9: {  	_ =	swait.ge [sflag:s28], $0x620  }
0x1aa: {  	[sflag:s28] =	ssyncset.done $0x0  }
0x1ab: {  	[sflag:s28] =	ssyncadd.s32 $0xFFFFF9E0  }
0x1ac: {  	[spmem:s21] =	stream.indirect.scatter.add.f32 [tilespmem:s13], [sflag:$0x2], $0x1, s12, s4, $0xb8;
	[tilespmem:$0x1DE00] =	vst v63  }
0x1ad: {  	_ =	swait.ge [sflag:s28], $0x620  }
0x1ae: {  	[sflag:s28] =	ssyncset.done $0x0  }
0x1af: {  	[sflag:s28] =	ssyncadd.s32 $0xFFFFF9E0  }
0x1b0: {  	[spmem:s21] =	stream.indirect.scatter.add.f32 [tilespmem:s16], [sflag:$0x2], $0x1, s15, s4, $0xb8;
	[tilespmem:$0x1DE00] =	vst v63  }
0x1b1: {  	_ =	swait.ge [sflag:s28], $0x620  }
0x1b2: {  	s18 =	stileid.u32;
	[sflag:s28] =	ssyncset.done $0x0  }
0x1b3: {  	s17 =	sshll.u32 s18, $0x6;
	[sflag:s28] =	ssyncadd.s32 $0xFFFFF9E0  }
0x1b4: {  	s22 =	sshrl.u32 s23, $0x3;
	s17 =	sor.u32 $0x1C02, s17;
	[bflag:$0x0] =	sbarrier.arrive $0xFFFF  }
0x1b5: {  	[hbm:s20], [sflag:s17] =	dma.local [spmem:s22], $0x800  }
0x1b6: {  	_ =	swait.ge [sflag:s28], $0x800  }
0x1b7: {  	s22 =	sld [smem:$0x7FB]  }
0x1b8: {  	[sflag:s28] =	ssyncset.done $0x0  }
0x1b9: {  	s24 =	sshrl.u32 s29, $0x3;
	[sflag:s28] =	ssyncadd.s32 $0xFFFFF800  }
0x1ba: {  	[hbm:s22], [sflag:s17] =	dma.local [spmem:s24], $0x800  }
0x1bb: {  	_ =	swait.ge [sflag:s28], $0x800  }
0x1bc: {  	s24 =	sld [smem:$0x7FC]  }
0x1bd: {  	[sflag:s28] =	ssyncset.done $0x0  }
0x1be: {  	s22 =	sshrl.u32 s0, $0x3;
	[sflag:s28] =	ssyncadd.s32 $0xFFFFF800  }
0x1bf: {  	[hbm:s24], [sflag:s17] =	dma.local [spmem:s22], $0x800  }
0x1c0: {  	_ =	swait.ge [sflag:s28], $0x800  }
0x1c1: {  	[sflag:s28] =	ssyncset.done $0x0  }
0x1c2: {  	s22 =	sshrl.u32 s6, $0x3;
	s24 =	rddreg [dreg:$0x18];
	[sflag:s28] =	ssyncadd.s32 $0xFFFFF800  }
0x1c3: {  	[hbm:s24], [sflag:s17] =	dma.local [spmem:s22], $0x800  }
0x1c4: {  	_ =	swait.ge [sflag:s28], $0x800  }
0x1c5: {  	s24 =	sld [smem:$0x7FD]  }
0x1c6: {  	[sflag:s28] =	ssyncset.done $0x0  }
0x1c7: {  	s22 =	sshrl.u32 s10, $0x3;
	[sflag:s28] =	ssyncadd.s32 $0xFFFFF800  }
0x1c8: {  	[hbm:s24], [sflag:s17] =	dma.local [spmem:s22], $0x800  }
0x1c9: {  	_ =	swait.ge [sflag:s28], $0x800  }
0x1ca: {  	[sflag:s28] =	ssyncset.done $0x0  }
0x1cb: {  	s22 =	sshrl.u32 s14, $0x3;
	[sflag:s28] =	ssyncadd.s32 $0xFFFFF800  }
0x1cc: {  	[hbm:s25], [sflag:s17] =	dma.local [spmem:s22], $0x800  }
0x1cd: {  	_ =	swait.ge [sflag:s28], $0x800  }
0x1ce: {  	s2 =	sadd.s32 $0x1, s2;
	s24 =	rddreg [dreg:$0x19]  }
0x1cf: {  	p0 =	sne.s32 s2, s24  }
.Ltmp9:
0x1d0: {  	_ = 	snop;
	(pc) =	sbr.rel @p0 .LBB2_1-.Ltmp9, $3  }
0x1d1: {  	_ =	sdelay $0x1  }
0x1d2: {  	[sflag:s28] =	ssyncset.done $0x0  }
0x1d3: {  	[sflag:s28] =	ssyncadd.s32 $0xFFFFF800  }
0x1d4: {  	_ =	sfence.sel $0x180000  }
0x1d5: {  	[bflag:$0x0] =	sbarrier.arrive $0xFFFF  }
0x1d6: {  	_ =	strace $0x90000047  }
0x1d7: {  	s0 =	stileid.u32;
	[bflag:$0x2] =	sbarrier.arrive $0xFFFF  }
0x1d8: {  	p0 =	sne.s32 s0, $0x0;
	s0 =	rddreg [dreg:$0x7]  }
0x1d9: {  	s0 =	sadd.s32 @!p0 $0x100000, s0  }
0x1da: {  	[sflag:s0] =	ssyncadd.tile.s32 @!p0 $0x1;
	_ =	shalt  }
.Lfunc_end2:
_tile_overlayer_lowered:
.L_overlay_start_2:
0x1db: {  	(tag) =	ssettag $0x2  }
0x1dc: {  	s0 =	rddreg [dreg:$0x0];
	s2 =	stileid.u32  }
0x1dd: {  	s1 =	rddreg [dreg:$0x1];
	p0 =	sne.s32 s2, $0x0  }
0x1de: {  	s3 =	rddreg [dreg:$0x2];
	[bflag:$0x3] =	sbarrier.arrive $0xFFFF;
	s2 =	simm.s32 @!p0 $0x1C02  }
0x1df: {  	[timem:s3], [sflag:s2] =	dma.local @!p0 [hbm:s0], s1  }
0x1e0: {  	s0 =	simm.s32 @!p0 $0x2  }
0x1e1: {  	_ =	swait.ge @!p0 [sflag:s0], s1  }
0x1e2: {  	s1 =	ssub.s32 @!p0 $0x0, s1;
	[sflag:s0] =	ssyncset.done @!p0 $0x0  }
0x1e3: {  	[sflag:s0] =	ssyncadd.s32 @!p0 s1  }
0x1e4: {  	[bflag:$0x3] =	sbarrier.arrive $0xFFFF  }
0x1e5: {  	_ =	shalt  }

</sc_bundles>
